<compile_context>
chip_gen: v7x
topology: tpu7x:2x2x1
jax: 0.10.2.dev20260603
libtpu: 0.0.44.dev20260713+nightly
codegen_flags: <defaults>
</compile_context>

<pallas_src>
import functools

import jax
import jax.numpy as jnp
from jax import lax
from jax.experimental import pallas as pl
from jax.experimental.pallas import tpu as pltpu
from jax.experimental.pallas import tpu_sc as plsc

_NC = 2
_NS = 16
_NW = _NC * _NS
_L = 16

_D = 2048
_C = 8
_NBUF = 3


def _permute_rows(x2, perm32):
    R, D = x2.shape
    rows_per_w = R // _NW
    n_chunks = rows_per_w // _C
    n_main = (n_chunks // _NBUF) * _NBUF
    groups = D // _L

    mesh = plsc.VectorSubcoreMesh(
        core_axis_name="c", subcore_axis_name="s",
        num_cores=_NC, num_subcores=_NS)

    @functools.partial(
        pl.kernel,
        mesh=mesh,
        out_type=jax.ShapeDtypeStruct((R, D), jnp.float32),
        scratch_types=[
            pltpu.VMEM((D,), jnp.int32),
            [pltpu.VMEM((_C, D), jnp.float32)] * _NBUF,
            [pltpu.VMEM((_C, D), jnp.float32)] * _NBUF,
            [pltpu.SemaphoreType.DMA] * _NBUF,
            [pltpu.SemaphoreType.DMA] * _NBUF,
        ],
        compiler_params=pltpu.CompilerParams(needs_layout_passes=False),
    )
    def k(x_hbm, perm_hbm, out_hbm, idx_v, ins, outs, sis, sos):
        wid = lax.axis_index("s") * _NC + lax.axis_index("c")
        base = wid * rows_per_w
        pltpu.sync_copy(perm_hbm, idx_v)

        def start_in(c, b):
            pltpu.async_copy(x_hbm.at[pl.ds(base + c * _C, _C)], ins[b], sis[b])

        def wait_in(b):
            pltpu.make_async_copy(x_hbm.at[pl.ds(0, _C)], ins[b], sis[b]).wait()

        def start_out(c, b):
            pltpu.async_copy(outs[b], out_hbm.at[pl.ds(base + c * _C, _C)], sos[b])

        def wait_out(b):
            pltpu.make_async_copy(outs[b], out_hbm.at[pl.ds(0, _C)], sos[b]).wait()

        def compute(b):
            @plsc.parallel_loop(0, groups, unroll=4)
            def _group(j):
                col = j * _L
                idx = idx_v[pl.ds(col, _L)]
                for r in range(_C):
                    row = jnp.full((_L,), r, dtype=jnp.int32)
                    vals = plsc.load_gather(ins[b], [row, idx])
                    outs[b][r, pl.ds(col, _L)] = vals

        for b in range(_NBUF - 1):
            start_in(b, b)

        @pl.loop(0, n_main, step=_NBUF)
        def _ring(c0):
            for b in range(_NBUF):
                c = c0 + b

                @pl.when(c + _NBUF - 1 < n_chunks)
                def _prefetch():
                    start_in(c + _NBUF - 1, (b + _NBUF - 1) % _NBUF)

                wait_in(b)

                @pl.when(c >= _NBUF)
                def _drain():
                    wait_out(b)

                compute(b)
                start_out(c, b)

        for c in range(n_main, n_chunks):
            b = c % _NBUF
            if c + _NBUF - 1 < n_chunks:
                start_in(c + _NBUF - 1, (c + _NBUF - 1) % _NBUF)
            wait_in(b)
            if c >= _NBUF:
                wait_out(b)
            compute(b)
            start_out(c, b)

        for b in range(min(_NBUF, n_chunks)):
            wait_out(b)

    return k(x2, perm32)


def kernel(x, perm):
    B, S, D = x.shape
    x2 = x.reshape(B * S, D)
    out2 = _permute_rows(x2, perm.astype(jnp.int32))
    out = out2.reshape(B, S, D)
    log_det = jnp.zeros((B, S), dtype=x.dtype)
    return (out, log_det)

# --- scband reference (transcript-rebuilt; emitter-appended) ---
"""Pipeline reference for scband-permute-17815524344449 (READ-ONLY COPY).

The authoritative reference and input builder live on the scoring server;
editing this copy changes nothing except your own understanding.
"""

import jax, jax.numpy as jnp
import numpy as np

D_TARGET = 2048

def setup_inputs(seed: int = 0) -> dict:
    key = jax.random.key(seed)
    x = jax.random.normal(key, (4, 4096, D_TARGET), dtype=jnp.float32)
    perm = jnp.asarray(np.random.default_rng(0).permutation(D_TARGET), dtype=jnp.int64)
    return {"x": x, "perm": perm}

def reference(x, perm):
    # Permute transform forward: gather along last dim, zero log-det
    out = jnp.take(x, perm, axis=-1)
    log_det = jnp.zeros(out.shape[:-1], dtype=out.dtype)
    return (out, log_det)

if __name__ == "__main__":
    import jax
    _d = setup_inputs()
    print(jax.jit(kernel)(*tuple(_d.values())))

</pallas_src>

<mosaic_0001>
#map = affine_map<(d0, d1) -> (0, 0)>
#map1 = affine_map<(d0, d1) -> (0)>
module attributes {stable_mosaic.version = 14 : i64} {
  func.func @k(%arg0: i32, %arg1: i32, %arg2: memref<16384x2048xf32, #tpu.memory_space<hbm>>, %arg3: memref<2048xi32, #tpu.memory_space<hbm>>, %arg4: memref<16384x2048xf32, #tpu.memory_space<hbm>>, %arg5: memref<2048xi32, #tpu.memory_space<vmem>>, %arg6: memref<8x2048xf32, #tpu.memory_space<vmem>>, %arg7: memref<8x2048xf32, #tpu.memory_space<vmem>>, %arg8: memref<8x2048xf32, #tpu.memory_space<vmem>>, %arg9: memref<8x2048xf32, #tpu.memory_space<vmem>>, %arg10: memref<8x2048xf32, #tpu.memory_space<vmem>>, %arg11: memref<8x2048xf32, #tpu.memory_space<vmem>>, %arg12: memref<!tpu.dma_semaphore, #tpu.memory_space<semaphore_mem>>, %arg13: memref<!tpu.dma_semaphore, #tpu.memory_space<semaphore_mem>>, %arg14: memref<!tpu.dma_semaphore, #tpu.memory_space<semaphore_mem>>, %arg15: memref<!tpu.dma_semaphore, #tpu.memory_space<semaphore_mem>>, %arg16: memref<!tpu.dma_semaphore, #tpu.memory_space<semaphore_mem>>, %arg17: memref<!tpu.dma_semaphore, #tpu.memory_space<semaphore_mem>>) attributes {dimension_semantics = [#tpu.dimension_semantics<core_parallel>, #tpu.dimension_semantics<subcore_parallel>], iteration_bounds = array<i64: 2, 16>, scalar_prefetch = 0 : i64, scratch_operands = 13 : i64, tpu.core_type = #tpu.core_type<sc_vector_subcore>, window_params = [{transform_indices = #map}, {transform_indices = #map1}, {transform_indices = #map}]} {
    %mul3A = arith.constant 2 : i32
    %mul3A_0 = arith.muli %arg1, %mul3A : i32
    %add3A = arith.addi %mul3A_0, %arg0 : i32
    %mul3A_1 = arith.constant 512 : i32
    %mul3A_2 = arith.muli %add3A, %mul3A_1 : i32
    "tpu.region"() ({
      %run_scoped3A = tpu.sem_alloc : memref<!tpu.dma_semaphore, #tpu.memory_space<semaphore_mem>>
      tpu.enqueue_dma source(%arg3 : memref<2048xi32, #tpu.memory_space<hbm>>) target(%arg5 : memref<2048xi32, #tpu.memory_space<vmem>>) target_semaphore(%run_scoped3A : memref<!tpu.dma_semaphore, #tpu.memory_space<semaphore_mem>>)
      tpu.wait_dma2 semaphore(%run_scoped3A : memref<!tpu.dma_semaphore, #tpu.memory_space<semaphore_mem>>) src(%arg3 : memref<2048xi32, #tpu.memory_space<hbm>>) dst(%arg5 : memref<2048xi32, #tpu.memory_space<vmem>>)
      tpu.yield
    }) : () -> ()
    %add3A_3 = arith.constant 0 : i32
    %add3A_4 = arith.addi %mul3A_2, %add3A_3 : i32
    %dma_start3A = arith.constant 0 : i32
    %dma_start3A_5 = tpu.memref_slice %arg2[%add3A_4, %dma_start3A] : memref<16384x2048xf32, #tpu.memory_space<hbm>> -> memref<8x2048xf32, #tpu.memory_space<hbm>>
    %dma_start3A_6 = arith.constant 0 : i32
    %dma_start3A_7 = tpu.memref_slice %arg2[%add3A_4, %dma_start3A_6] : memref<16384x2048xf32, #tpu.memory_space<hbm>> -> memref<8x2048xf32, #tpu.memory_space<hbm>>
    tpu.enqueue_dma source(%dma_start3A_7 : memref<8x2048xf32, #tpu.memory_space<hbm>>) target(%arg6 : memref<8x2048xf32, #tpu.memory_space<vmem>>) target_semaphore(%arg12 : memref<!tpu.dma_semaphore, #tpu.memory_space<semaphore_mem>>)
    %add3A_8 = arith.constant 8 : i32
    %add3A_9 = arith.addi %mul3A_2, %add3A_8 : i32
    %dma_start3A_10 = arith.constant 0 : i32
    %dma_start3A_11 = tpu.memref_slice %arg2[%add3A_9, %dma_start3A_10] : memref<16384x2048xf32, #tpu.memory_space<hbm>> -> memref<8x2048xf32, #tpu.memory_space<hbm>>
    %dma_start3A_12 = arith.constant 0 : i32
    %dma_start3A_13 = tpu.memref_slice %arg2[%add3A_9, %dma_start3A_12] : memref<16384x2048xf32, #tpu.memory_space<hbm>> -> memref<8x2048xf32, #tpu.memory_space<hbm>>
    tpu.enqueue_dma source(%dma_start3A_13 : memref<8x2048xf32, #tpu.memory_space<hbm>>) target(%arg7 : memref<8x2048xf32, #tpu.memory_space<vmem>>) target_semaphore(%arg13 : memref<!tpu.dma_semaphore, #tpu.memory_space<semaphore_mem>>)
    %scan3A = arith.constant 0 : i32
    %scan3A_14 = arith.constant 21 : i32
    %scan3A_15 = arith.addi %scan3A, %scan3A_14 : i32
    %scan3A_16 = arith.constant 1 : i32
    scf.for %scan3A_55 = %scan3A to %scan3A_15 step %scan3A_16  : i32 {
      %mul3A_56 = arith.constant 3 : i32
      %mul3A_57 = arith.muli %scan3A_55, %mul3A_56 : i32
      %add3A_58 = arith.constant 0 : i32
      %add3A_59 = arith.addi %add3A_58, %mul3A_57 : i32
      %add3A_60 = arith.constant 0 : i32
      %add3A_61 = arith.addi %add3A_59, %add3A_60 : i32
      %add3A_62 = arith.constant 3 : i32
      %add3A_63 = arith.addi %add3A_61, %add3A_62 : i32
      %sub3A = arith.constant 1 : i32
      %sub3A_64 = arith.subi %add3A_63, %sub3A : i32
      %lt3A = arith.constant 64 : i32
      %lt3A_65 = arith.cmpi slt, %sub3A_64, %lt3A : i32
      %convert_element_type3A = arith.extui %lt3A_65 : i1 to i32
      %cond3A = arith.constant 0 : i32
      %cond3A_66 = arith.cmpi ne, %convert_element_type3A, %cond3A : i32
      scf.if %cond3A_66 {
        %add3A_151 = arith.constant 3 : i32
        %add3A_152 = arith.addi %add3A_61, %add3A_151 : i32
        %sub3A_153 = arith.constant 1 : i32
        %sub3A_154 = arith.subi %add3A_152, %sub3A_153 : i32
        %mul3A_155 = arith.constant 8 : i32
        %mul3A_156 = arith.muli %sub3A_154, %mul3A_155 : i32
        %add3A_157 = arith.addi %mul3A_2, %mul3A_156 : i32
        %dma_start3A_158 = arith.constant 0 : i32
        %dma_start3A_159 = tpu.memref_slice %arg2[%add3A_157, %dma_start3A_158] : memref<16384x2048xf32, #tpu.memory_space<hbm>> -> memref<8x2048xf32, #tpu.memory_space<hbm>>
        %dma_start3A_160 = arith.constant 0 : i32
        %dma_start3A_161 = tpu.memref_slice %arg2[%add3A_157, %dma_start3A_160] : memref<16384x2048xf32, #tpu.memory_space<hbm>> -> memref<8x2048xf32, #tpu.memory_space<hbm>>
        tpu.enqueue_dma source(%dma_start3A_161 : memref<8x2048xf32, #tpu.memory_space<hbm>>) target(%arg8 : memref<8x2048xf32, #tpu.memory_space<vmem>>) target_semaphore(%arg14 : memref<!tpu.dma_semaphore, #tpu.memory_space<semaphore_mem>>)
      } else {
      }
      %dma_wait3A_67 = arith.constant 0 : i32
      %dma_wait3A_68 = arith.constant 0 : i32
      %dma_wait3A_69 = tpu.memref_slice %arg2[%dma_wait3A_67, %dma_wait3A_68] : memref<16384x2048xf32, #tpu.memory_space<hbm>> -> memref<8x2048xf32, #tpu.memory_space<hbm>>
      %dma_wait3A_70 = arith.constant 0 : i32
      %dma_wait3A_71 = arith.constant 0 : i32
      %dma_wait3A_72 = tpu.memref_slice %arg2[%dma_wait3A_70, %dma_wait3A_71] : memref<16384x2048xf32, #tpu.memory_space<hbm>> -> memref<8x2048xf32, #tpu.memory_space<hbm>>
      tpu.wait_dma2 semaphore(%arg12 : memref<!tpu.dma_semaphore, #tpu.memory_space<semaphore_mem>>) src(%dma_wait3A_72 : memref<8x2048xf32, #tpu.memory_space<hbm>>) dst(%arg6 : memref<8x2048xf32, #tpu.memory_space<vmem>>)
      %ge3A = arith.constant 3 : i32
      %ge3A_73 = arith.cmpi sge, %add3A_61, %ge3A : i32
      %convert_element_type3A_74 = arith.extui %ge3A_73 : i1 to i32
      %cond3A_75 = arith.constant 0 : i32
      %cond3A_76 = arith.cmpi ne, %convert_element_type3A_74, %cond3A_75 : i32
      scf.if %cond3A_76 {
        %dma_wait3A_151 = arith.constant 0 : i32
        %dma_wait3A_152 = arith.constant 0 : i32
        %dma_wait3A_153 = tpu.memref_slice %arg4[%dma_wait3A_151, %dma_wait3A_152] : memref<16384x2048xf32, #tpu.memory_space<hbm>> -> memref<8x2048xf32, #tpu.memory_space<hbm>>
        %dma_wait3A_154 = arith.constant 0 : i32
        %dma_wait3A_155 = arith.constant 0 : i32
        %dma_wait3A_156 = tpu.memref_slice %arg4[%dma_wait3A_154, %dma_wait3A_155] : memref<16384x2048xf32, #tpu.memory_space<hbm>> -> memref<8x2048xf32, #tpu.memory_space<hbm>>
        tpu.wait_dma2 semaphore(%arg15 : memref<!tpu.dma_semaphore, #tpu.memory_space<semaphore_mem>>) src(%arg9 : memref<8x2048xf32, #tpu.memory_space<vmem>>) dst(%dma_wait3A_156 : memref<8x2048xf32, #tpu.memory_space<hbm>>)
      } else {
      }
      %parallel_loop3A_77 = arith.constant 0 : i32
      %parallel_loop3A_78 = arith.constant 128 : i32
      %parallel_loop3A_79 = arith.constant 1 : i32
      scf.for %parallel_loop3A_151 = %parallel_loop3A_77 to %parallel_loop3A_78 step %parallel_loop3A_79  : i32 {
        %parallel_loop3A_152 = arith.constant 16 : i32
        %parallel_loop3A_153 = arith.muli %parallel_loop3A_151, %parallel_loop3A_152 : i32
        %parallel_loop3A_154 = arith.index_cast %parallel_loop3A_153 : i32 to index
        %parallel_loop3A_155 = tpu.vector_load %arg5[%parallel_loop3A_154] {strides = array<i32>} : memref<2048xi32, #tpu.memory_space<vmem>>, vector<16xi32>,
        %parallel_loop3A_156 = arith.constant 0 : i32
        %parallel_loop3A_157 = vector.broadcast %parallel_loop3A_156 : i32 to vector<16xi32>
        %parallel_loop3A_158 = tpu.vector_load_idx %arg6[%parallel_loop3A_157, %parallel_loop3A_155] : memref<8x2048xf32, #tpu.memory_space<vmem>>[vector<16xi32>, vector<16xi32>], vector<16xf32>,
        %parallel_loop3A_159 = arith.constant 0 : i32
        %parallel_loop3A_160 = arith.index_cast %parallel_loop3A_159 : i32 to index
        %parallel_loop3A_161 = arith.index_cast %parallel_loop3A_153 : i32 to index
        %parallel_loop3A_162 = tpu.vector_load %arg9[%parallel_loop3A_160, %parallel_loop3A_161] {strides = array<i32>} : memref<8x2048xf32, #tpu.memory_space<vmem>>, vector<16xf32>,
        tpu.vector_store %arg9[%parallel_loop3A_160, %parallel_loop3A_161], %parallel_loop3A_158 {strides = array<i32>} : memref<8x2048xf32, #tpu.memory_space<vmem>>, vector<16xf32>,
        %parallel_loop3A_163 = arith.constant 1 : i32
        %parallel_loop3A_164 = vector.broadcast %parallel_loop3A_163 : i32 to vector<16xi32>
        %parallel_loop3A_165 = tpu.vector_load_idx %arg6[%parallel_loop3A_164, %parallel_loop3A_155] : memref<8x2048xf32, #tpu.memory_space<vmem>>[vector<16xi32>, vector<16xi32>], vector<16xf32>,
        %parallel_loop3A_166 = arith.constant 1 : i32
        %parallel_loop3A_167 = arith.index_cast %parallel_loop3A_166 : i32 to index
        %parallel_loop3A_168 = arith.index_cast %parallel_loop3A_153 : i32 to index
        %parallel_loop3A_169 = tpu.vector_load %arg9[%parallel_loop3A_167, %parallel_loop3A_168] {strides = array<i32>} : memref<8x2048xf32, #tpu.memory_space<vmem>>, vector<16xf32>,
        tpu.vector_store %arg9[%parallel_loop3A_167, %parallel_loop3A_168], %parallel_loop3A_165 {strides = array<i32>} : memref<8x2048xf32, #tpu.memory_space<vmem>>, vector<16xf32>,
        %parallel_loop3A_170 = arith.constant 2 : i32
        %parallel_loop3A_171 = vector.broadcast %parallel_loop3A_170 : i32 to vector<16xi32>
        %parallel_loop3A_172 = tpu.vector_load_idx %arg6[%parallel_loop3A_171, %parallel_loop3A_155] : memref<8x2048xf32, #tpu.memory_space<vmem>>[vector<16xi32>, vector<16xi32>], vector<16xf32>,
        %parallel_loop3A_173 = arith.constant 2 : i32
        %parallel_loop3A_174 = arith.index_cast %parallel_loop3A_173 : i32 to index
        %parallel_loop3A_175 = arith.index_cast %parallel_loop3A_153 : i32 to index
        %parallel_loop3A_176 = tpu.vector_load %arg9[%parallel_loop3A_174, %parallel_loop3A_175] {strides = array<i32>} : memref<8x2048xf32, #tpu.memory_space<vmem>>, vector<16xf32>,
        tpu.vector_store %arg9[%parallel_loop3A_174, %parallel_loop3A_175], %parallel_loop3A_172 {strides = array<i32>} : memref<8x2048xf32, #tpu.memory_space<vmem>>, vector<16xf32>,
        %parallel_loop3A_177 = arith.constant 3 : i32
        %parallel_loop3A_178 = vector.broadcast %parallel_loop3A_177 : i32 to vector<16xi32>
        %parallel_loop3A_179 = tpu.vector_load_idx %arg6[%parallel_loop3A_178, %parallel_loop3A_155] : memref<8x2048xf32, #tpu.memory_space<vmem>>[vector<16xi32>, vector<16xi32>], vector<16xf32>,
        %parallel_loop3A_180 = arith.constant 3 : i32
        %parallel_loop3A_181 = arith.index_cast %parallel_loop3A_180 : i32 to index
        %parallel_loop3A_182 = arith.index_cast %parallel_loop3A_153 : i32 to index
        %parallel_loop3A_183 = tpu.vector_load %arg9[%parallel_loop3A_181, %parallel_loop3A_182] {strides = array<i32>} : memref<8x2048xf32, #tpu.memory_space<vmem>>, vector<16xf32>,
        tpu.vector_store %arg9[%parallel_loop3A_181, %parallel_loop3A_182], %parallel_loop3A_179 {strides = array<i32>} : memref<8x2048xf32, #tpu.memory_space<vmem>>, vector<16xf32>,
        %parallel_loop3A_184 = arith.constant 4 : i32
        %parallel_loop3A_185 = vector.broadcast %parallel_loop3A_184 : i32 to vector<16xi32>
        %parallel_loop3A_186 = tpu.vector_load_idx %arg6[%parallel_loop3A_185, %parallel_loop3A_155] : memref<8x2048xf32, #tpu.memory_space<vmem>>[vector<16xi32>, vector<16xi32>], vector<16xf32>,
        %parallel_loop3A_187 = arith.constant 4 : i32
        %parallel_loop3A_188 = arith.index_cast %parallel_loop3A_187 : i32 to index
        %parallel_loop3A_189 = arith.index_cast %parallel_loop3A_153 : i32 to index
        %parallel_loop3A_190 = tpu.vector_load %arg9[%parallel_loop3A_188, %parallel_loop3A_189] {strides = array<i32>} : memref<8x2048xf32, #tpu.memory_space<vmem>>, vector<16xf32>,
        tpu.vector_store %arg9[%parallel_loop3A_188, %parallel_loop3A_189], %parallel_loop3A_186 {strides = array<i32>} : memref<8x2048xf32, #tpu.memory_space<vmem>>, vector<16xf32>,
        %parallel_loop3A_191 = arith.constant 5 : i32
        %parallel_loop3A_192 = vector.broadcast %parallel_loop3A_191 : i32 to vector<16xi32>
        %parallel_loop3A_193 = tpu.vector_load_idx %arg6[%parallel_loop3A_192, %parallel_loop3A_155] : memref<8x2048xf32, #tpu.memory_space<vmem>>[vector<16xi32>, vector<16xi32>], vector<16xf32>,
        %parallel_loop3A_194 = arith.constant 5 : i32
        %parallel_loop3A_195 = arith.index_cast %parallel_loop3A_194 : i32 to index
        %parallel_loop3A_196 = arith.index_cast %parallel_loop3A_153 : i32 to index
        %parallel_loop3A_197 = tpu.vector_load %arg9[%parallel_loop3A_195, %parallel_loop3A_196] {strides = array<i32>} : memref<8x2048xf32, #tpu.memory_space<vmem>>, vector<16xf32>,
        tpu.vector_store %arg9[%parallel_loop3A_195, %parallel_loop3A_196], %parallel_loop3A_193 {strides = array<i32>} : memref<8x2048xf32, #tpu.memory_space<vmem>>, vector<16xf32>,
        %parallel_loop3A_198 = arith.constant 6 : i32
        %parallel_loop3A_199 = vector.broadcast %parallel_loop3A_198 : i32 to vector<16xi32>
        %parallel_loop3A_200 = tpu.vector_load_idx %arg6[%parallel_loop3A_199, %parallel_loop3A_155] : memref<8x2048xf32, #tpu.memory_space<vmem>>[vector<16xi32>, vector<16xi32>], vector<16xf32>,
        %parallel_loop3A_201 = arith.constant 6 : i32
        %parallel_loop3A_202 = arith.index_cast %parallel_loop3A_201 : i32 to index
        %parallel_loop3A_203 = arith.index_cast %parallel_loop3A_153 : i32 to index
        %parallel_loop3A_204 = tpu.vector_load %arg9[%parallel_loop3A_202, %parallel_loop3A_203] {strides = array<i32>} : memref<8x2048xf32, #tpu.memory_space<vmem>>, vector<16xf32>,
        tpu.vector_store %arg9[%parallel_loop3A_202, %parallel_loop3A_203], %parallel_loop3A_200 {strides = array<i32>} : memref<8x2048xf32, #tpu.memory_space<vmem>>, vector<16xf32>,
        %parallel_loop3A_205 = arith.constant 7 : i32
        %parallel_loop3A_206 = vector.broadcast %parallel_loop3A_205 : i32 to vector<16xi32>
        %parallel_loop3A_207 = tpu.vector_load_idx %arg6[%parallel_loop3A_206, %parallel_loop3A_155] : memref<8x2048xf32, #tpu.memory_space<vmem>>[vector<16xi32>, vector<16xi32>], vector<16xf32>,
        %parallel_loop3A_208 = arith.constant 7 : i32
        %parallel_loop3A_209 = arith.index_cast %parallel_loop3A_208 : i32 to index
        %parallel_loop3A_210 = arith.index_cast %parallel_loop3A_153 : i32 to index
        %parallel_loop3A_211 = tpu.vector_load %arg9[%parallel_loop3A_209, %parallel_loop3A_210] {strides = array<i32>} : memref<8x2048xf32, #tpu.memory_space<vmem>>, vector<16xf32>,
        tpu.vector_store %arg9[%parallel_loop3A_209, %parallel_loop3A_210], %parallel_loop3A_207 {strides = array<i32>} : memref<8x2048xf32, #tpu.memory_space<vmem>>, vector<16xf32>,
      } {sc.loop_unroll_factor = 4 : i64, sc.parallel_access}
      %mul3A_80 = arith.constant 8 : i32
      %mul3A_81 = arith.muli %add3A_61, %mul3A_80 : i32
      %add3A_82 = arith.addi %mul3A_2, %mul3A_81 : i32
      %dma_start3A_83 = arith.constant 0 : i32
      %dma_start3A_84 = tpu.memref_slice %arg4[%add3A_82, %dma_start3A_83] : memref<16384x2048xf32, #tpu.memory_space<hbm>> -> memref<8x2048xf32, #tpu.memory_space<hbm>>
      %dma_start3A_85 = arith.constant 0 : i32
      %dma_start3A_86 = tpu.memref_slice %arg4[%add3A_82, %dma_start3A_85] : memref<16384x2048xf32, #tpu.memory_space<hbm>> -> memref<8x2048xf32, #tpu.memory_space<hbm>>
      tpu.enqueue_dma source(%arg9 : memref<8x2048xf32, #tpu.memory_space<vmem>>) target(%dma_start3A_86 : memref<8x2048xf32, #tpu.memory_space<hbm>>) target_semaphore(%arg15 : memref<!tpu.dma_semaphore, #tpu.memory_space<semaphore_mem>>)
      %add3A_87 = arith.constant 1 : i32
      %add3A_88 = arith.addi %add3A_59, %add3A_87 : i32
      %add3A_89 = arith.constant 3 : i32
      %add3A_90 = arith.addi %add3A_88, %add3A_89 : i32
      %sub3A_91 = arith.constant 1 : i32
      %sub3A_92 = arith.subi %add3A_90, %sub3A_91 : i32
      %lt3A_93 = arith.constant 64 : i32
      %lt3A_94 = arith.cmpi slt, %sub3A_92, %lt3A_93 : i32
      %convert_element_type3A_95 = arith.extui %lt3A_94 : i1 to i32
      %cond3A_96 = arith.constant 0 : i32
      %cond3A_97 = arith.cmpi ne, %convert_element_type3A_95, %cond3A_96 : i32
      scf.if %cond3A_97 {
        %add3A_151 = arith.constant 3 : i32
        %add3A_152 = arith.addi %add3A_88, %add3A_151 : i32
        %sub3A_153 = arith.constant 1 : i32
        %sub3A_154 = arith.subi %add3A_152, %sub3A_153 : i32
        %mul3A_155 = arith.constant 8 : i32
        %mul3A_156 = arith.muli %sub3A_154, %mul3A_155 : i32
        %add3A_157 = arith.addi %mul3A_2, %mul3A_156 : i32
        %dma_start3A_158 = arith.constant 0 : i32
        %dma_start3A_159 = tpu.memref_slice %arg2[%add3A_157, %dma_start3A_158] : memref<16384x2048xf32, #tpu.memory_space<hbm>> -> memref<8x2048xf32, #tpu.memory_space<hbm>>
        %dma_start3A_160 = arith.constant 0 : i32
        %dma_start3A_161 = tpu.memref_slice %arg2[%add3A_157, %dma_start3A_160] : memref<16384x2048xf32, #tpu.memory_space<hbm>> -> memref<8x2048xf32, #tpu.memory_space<hbm>>
        tpu.enqueue_dma source(%dma_start3A_161 : memref<8x2048xf32, #tpu.memory_space<hbm>>) target(%arg6 : memref<8x2048xf32, #tpu.memory_space<vmem>>) target_semaphore(%arg12 : memref<!tpu.dma_semaphore, #tpu.memory_space<semaphore_mem>>)
      } else {
      }
      %dma_wait3A_98 = arith.constant 0 : i32
      %dma_wait3A_99 = arith.constant 0 : i32
      %dma_wait3A_100 = tpu.memref_slice %arg2[%dma_wait3A_98, %dma_wait3A_99] : memref<16384x2048xf32, #tpu.memory_space<hbm>> -> memref<8x2048xf32, #tpu.memory_space<hbm>>
      %dma_wait3A_101 = arith.constant 0 : i32
      %dma_wait3A_102 = arith.constant 0 : i32
      %dma_wait3A_103 = tpu.memref_slice %arg2[%dma_wait3A_101, %dma_wait3A_102] : memref<16384x2048xf32, #tpu.memory_space<hbm>> -> memref<8x2048xf32, #tpu.memory_space<hbm>>
      tpu.wait_dma2 semaphore(%arg13 : memref<!tpu.dma_semaphore, #tpu.memory_space<semaphore_mem>>) src(%dma_wait3A_103 : memref<8x2048xf32, #tpu.memory_space<hbm>>) dst(%arg7 : memref<8x2048xf32, #tpu.memory_space<vmem>>)
      %ge3A_104 = arith.constant 3 : i32
      %ge3A_105 = arith.cmpi sge, %add3A_88, %ge3A_104 : i32
      %convert_element_type3A_106 = arith.extui %ge3A_105 : i1 to i32
      %cond3A_107 = arith.constant 0 : i32
      %cond3A_108 = arith.cmpi ne, %convert_element_type3A_106, %cond3A_107 : i32
      scf.if %cond3A_108 {
        %dma_wait3A_151 = arith.constant 0 : i32
        %dma_wait3A_152 = arith.constant 0 : i32
        %dma_wait3A_153 = tpu.memref_slice %arg4[%dma_wait3A_151, %dma_wait3A_152] : memref<16384x2048xf32, #tpu.memory_space<hbm>> -> memref<8x2048xf32, #tpu.memory_space<hbm>>
        %dma_wait3A_154 = arith.constant 0 : i32
        %dma_wait3A_155 = arith.constant 0 : i32
        %dma_wait3A_156 = tpu.memref_slice %arg4[%dma_wait3A_154, %dma_wait3A_155] : memref<16384x2048xf32, #tpu.memory_space<hbm>> -> memref<8x2048xf32, #tpu.memory_space<hbm>>
        tpu.wait_dma2 semaphore(%arg16 : memref<!tpu.dma_semaphore, #tpu.memory_space<semaphore_mem>>) src(%arg10 : memref<8x2048xf32, #tpu.memory_space<vmem>>) dst(%dma_wait3A_156 : memref<8x2048xf32, #tpu.memory_space<hbm>>)
      } else {
      }
      %parallel_loop3A_109 = arith.constant 0 : i32
      %parallel_loop3A_110 = arith.constant 128 : i32
      %parallel_loop3A_111 = arith.constant 1 : i32
      scf.for %parallel_loop3A_151 = %parallel_loop3A_109 to %parallel_loop3A_110 step %parallel_loop3A_111  : i32 {
        %parallel_loop3A_152 = arith.constant 16 : i32
        %parallel_loop3A_153 = arith.muli %parallel_loop3A_151, %parallel_loop3A_152 : i32
        %parallel_loop3A_154 = arith.index_cast %parallel_loop3A_153 : i32 to index
        %parallel_loop3A_155 = tpu.vector_load %arg5[%parallel_loop3A_154] {strides = array<i32>} : memref<2048xi32, #tpu.memory_space<vmem>>, vector<16xi32>,
        %parallel_loop3A_156 = arith.constant 0 : i32
        %parallel_loop3A_157 = vector.broadcast %parallel_loop3A_156 : i32 to vector<16xi32>
        %parallel_loop3A_158 = tpu.vector_load_idx %arg7[%parallel_loop3A_157, %parallel_loop3A_155] : memref<8x2048xf32, #tpu.memory_space<vmem>>[vector<16xi32>, vector<16xi32>], vector<16xf32>,
        %parallel_loop3A_159 = arith.constant 0 : i32
        %parallel_loop3A_160 = arith.index_cast %parallel_loop3A_159 : i32 to index
        %parallel_loop3A_161 = arith.index_cast %parallel_loop3A_153 : i32 to index
        %parallel_loop3A_162 = tpu.vector_load %arg10[%parallel_loop3A_160, %parallel_loop3A_161] {strides = array<i32>} : memref<8x2048xf32, #tpu.memory_space<vmem>>, vector<16xf32>,
        tpu.vector_store %arg10[%parallel_loop3A_160, %parallel_loop3A_161], %parallel_loop3A_158 {strides = array<i32>} : memref<8x2048xf32, #tpu.memory_space<vmem>>, vector<16xf32>,
        %parallel_loop3A_163 = arith.constant 1 : i32
        %parallel_loop3A_164 = vector.broadcast %parallel_loop3A_163 : i32 to vector<16xi32>
        %parallel_loop3A_165 = tpu.vector_load_idx %arg7[%parallel_loop3A_164, %parallel_loop3A_155] : memref<8x2048xf32, #tpu.memory_space<vmem>>[vector<16xi32>, vector<16xi32>], vector<16xf32>,
        %parallel_loop3A_166 = arith.constant 1 : i32
        %parallel_loop3A_167 = arith.index_cast %parallel_loop3A_166 : i32 to index
        %parallel_loop3A_168 = arith.index_cast %parallel_loop3A_153 : i32 to index
        %parallel_loop3A_169 = tpu.vector_load %arg10[%parallel_loop3A_167, %parallel_loop3A_168] {strides = array<i32>} : memref<8x2048xf32, #tpu.memory_space<vmem>>, vector<16xf32>,
        tpu.vector_store %arg10[%parallel_loop3A_167, %parallel_loop3A_168], %parallel_loop3A_165 {strides = array<i32>} : memref<8x2048xf32, #tpu.memory_space<vmem>>, vector<16xf32>,
        %parallel_loop3A_170 = arith.constant 2 : i32
        %parallel_loop3A_171 = vector.broadcast %parallel_loop3A_170 : i32 to vector<16xi32>
        %parallel_loop3A_172 = tpu.vector_load_idx %arg7[%parallel_loop3A_171, %parallel_loop3A_155] : memref<8x2048xf32, #tpu.memory_space<vmem>>[vector<16xi32>, vector<16xi32>], vector<16xf32>,
        %parallel_loop3A_173 = arith.constant 2 : i32
        %parallel_loop3A_174 = arith.index_cast %parallel_loop3A_173 : i32 to index
        %parallel_loop3A_175 = arith.index_cast %parallel_loop3A_153 : i32 to index
        %parallel_loop3A_176 = tpu.vector_load %arg10[%parallel_loop3A_174, %parallel_loop3A_175] {strides = array<i32>} : memref<8x2048xf32, #tpu.memory_space<vmem>>, vector<16xf32>,
        tpu.vector_store %arg10[%parallel_loop3A_174, %parallel_loop3A_175], %parallel_loop3A_172 {strides = array<i32>} : memref<8x2048xf32, #tpu.memory_space<vmem>>, vector<16xf32>,
        %parallel_loop3A_177 = arith.constant 3 : i32
        %parallel_loop3A_178 = vector.broadcast %parallel_loop3A_177 : i32 to vector<16xi32>
        %parallel_loop3A_179 = tpu.vector_load_idx %arg7[%parallel_loop3A_178, %parallel_loop3A_155] : memref<8x2048xf32, #tpu.memory_space<vmem>>[vector<16xi32>, vector<16xi32>], vector<16xf32>,
        %parallel_loop3A_180 = arith.constant 3 : i32
        %parallel_loop3A_181 = arith.index_cast %parallel_loop3A_180 : i32 to index
        %parallel_loop3A_182 = arith.index_cast %parallel_loop3A_153 : i32 to index
        %parallel_loop3A_183 = tpu.vector_load %arg10[%parallel_loop3A_181, %parallel_loop3A_182] {strides = array<i32>} : memref<8x2048xf32, #tpu.memory_space<vmem>>, vector<16xf32>,
        tpu.vector_store %arg10[%parallel_loop3A_181, %parallel_loop3A_182], %parallel_loop3A_179 {strides = array<i32>} : memref<8x2048xf32, #tpu.memory_space<vmem>>, vector<16xf32>,
        %parallel_loop3A_184 = arith.constant 4 : i32
        %parallel_loop3A_185 = vector.broadcast %parallel_loop3A_184 : i32 to vector<16xi32>
        %parallel_loop3A_186 = tpu.vector_load_idx %arg7[%parallel_loop3A_185, %parallel_loop3A_155] : memref<8x2048xf32, #tpu.memory_space<vmem>>[vector<16xi32>, vector<16xi32>], vector<16xf32>,
        %parallel_loop3A_187 = arith.constant 4 : i32
        %parallel_loop3A_188 = arith.index_cast %parallel_loop3A_187 : i32 to index
        %parallel_loop3A_189 = arith.index_cast %parallel_loop3A_153 : i32 to index
        %parallel_loop3A_190 = tpu.vector_load %arg10[%parallel_loop3A_188, %parallel_loop3A_189] {strides = array<i32>} : memref<8x2048xf32, #tpu.memory_space<vmem>>, vector<16xf32>,
        tpu.vector_store %arg10[%parallel_loop3A_188, %parallel_loop3A_189], %parallel_loop3A_186 {strides = array<i32>} : memref<8x2048xf32, #tpu.memory_space<vmem>>, vector<16xf32>,
        %parallel_loop3A_191 = arith.constant 5 : i32
        %parallel_loop3A_192 = vector.broadcast %parallel_loop3A_191 : i32 to vector<16xi32>
        %parallel_loop3A_193 = tpu.vector_load_idx %arg7[%parallel_loop3A_192, %parallel_loop3A_155] : memref<8x2048xf32, #tpu.memory_space<vmem>>[vector<16xi32>, vector<16xi32>], vector<16xf32>,
        %parallel_loop3A_194 = arith.constant 5 : i32
        %parallel_loop3A_195 = arith.index_cast %parallel_loop3A_194 : i32 to index
        %parallel_loop3A_196 = arith.index_cast %parallel_loop3A_153 : i32 to index
        %parallel_loop3A_197 = tpu.vector_load %arg10[%parallel_loop3A_195, %parallel_loop3A_196] {strides = array<i32>} : memref<8x2048xf32, #tpu.memory_space<vmem>>, vector<16xf32>,
        tpu.vector_store %arg10[%parallel_loop3A_195, %parallel_loop3A_196], %parallel_loop3A_193 {strides = array<i32>} : memref<8x2048xf32, #tpu.memory_space<vmem>>, vector<16xf32>,
        %parallel_loop3A_198 = arith.constant 6 : i32
        %parallel_loop3A_199 = vector.broadcast %parallel_loop3A_198 : i32 to vector<16xi32>
        %parallel_loop3A_200 = tpu.vector_load_idx %arg7[%parallel_loop3A_199, %parallel_loop3A_155] : memref<8x2048xf32, #tpu.memory_space<vmem>>[vector<16xi32>, vector<16xi32>], vector<16xf32>,
        %parallel_loop3A_201 = arith.constant 6 : i32
        %parallel_loop3A_202 = arith.index_cast %parallel_loop3A_201 : i32 to index
        %parallel_loop3A_203 = arith.index_cast %parallel_loop3A_153 : i32 to index
        %parallel_loop3A_204 = tpu.vector_load %arg10[%parallel_loop3A_202, %parallel_loop3A_203] {strides = array<i32>} : memref<8x2048xf32, #tpu.memory_space<vmem>>, vector<16xf32>,
        tpu.vector_store %arg10[%parallel_loop3A_202, %parallel_loop3A_203], %parallel_loop3A_200 {strides = array<i32>} : memref<8x2048xf32, #tpu.memory_space<vmem>>, vector<16xf32>,
        %parallel_loop3A_205 = arith.constant 7 : i32
        %parallel_loop3A_206 = vector.broadcast %parallel_loop3A_205 : i32 to vector<16xi32>
        %parallel_loop3A_207 = tpu.vector_load_idx %arg7[%parallel_loop3A_206, %parallel_loop3A_155] : memref<8x2048xf32, #tpu.memory_space<vmem>>[vector<16xi32>, vector<16xi32>], vector<16xf32>,
        %parallel_loop3A_208 = arith.constant 7 : i32
        %parallel_loop3A_209 = arith.index_cast %parallel_loop3A_208 : i32 to index
        %parallel_loop3A_210 = arith.index_cast %parallel_loop3A_153 : i32 to index
        %parallel_loop3A_211 = tpu.vector_load %arg10[%parallel_loop3A_209, %parallel_loop3A_210] {strides = array<i32>} : memref<8x2048xf32, #tpu.memory_space<vmem>>, vector<16xf32>,
        tpu.vector_store %arg10[%parallel_loop3A_209, %parallel_loop3A_210], %parallel_loop3A_207 {strides = array<i32>} : memref<8x2048xf32, #tpu.memory_space<vmem>>, vector<16xf32>,
      } {sc.loop_unroll_factor = 4 : i64, sc.parallel_access}
      %mul3A_112 = arith.constant 8 : i32
      %mul3A_113 = arith.muli %add3A_88, %mul3A_112 : i32
      %add3A_114 = arith.addi %mul3A_2, %mul3A_113 : i32
      %dma_start3A_115 = arith.constant 0 : i32
      %dma_start3A_116 = tpu.memref_slice %arg4[%add3A_114, %dma_start3A_115] : memref<16384x2048xf32, #tpu.memory_space<hbm>> -> memref<8x2048xf32, #tpu.memory_space<hbm>>
      %dma_start3A_117 = arith.constant 0 : i32
      %dma_start3A_118 = tpu.memref_slice %arg4[%add3A_114, %dma_start3A_117] : memref<16384x2048xf32, #tpu.memory_space<hbm>> -> memref<8x2048xf32, #tpu.memory_space<hbm>>
      tpu.enqueue_dma source(%arg10 : memref<8x2048xf32, #tpu.memory_space<vmem>>) target(%dma_start3A_118 : memref<8x2048xf32, #tpu.memory_space<hbm>>) target_semaphore(%arg16 : memref<!tpu.dma_semaphore, #tpu.memory_space<semaphore_mem>>)
      %add3A_119 = arith.constant 2 : i32
      %add3A_120 = arith.addi %add3A_59, %add3A_119 : i32
      %add3A_121 = arith.constant 3 : i32
      %add3A_122 = arith.addi %add3A_120, %add3A_121 : i32
      %sub3A_123 = arith.constant 1 : i32
      %sub3A_124 = arith.subi %add3A_122, %sub3A_123 : i32
      %lt3A_125 = arith.constant 64 : i32
      %lt3A_126 = arith.cmpi slt, %sub3A_124, %lt3A_125 : i32
      %convert_element_type3A_127 = arith.extui %lt3A_126 : i1 to i32
      %cond3A_128 = arith.constant 0 : i32
      %cond3A_129 = arith.cmpi ne, %convert_element_type3A_127, %cond3A_128 : i32
      scf.if %cond3A_129 {
        %add3A_151 = arith.constant 3 : i32
        %add3A_152 = arith.addi %add3A_120, %add3A_151 : i32
        %sub3A_153 = arith.constant 1 : i32
        %sub3A_154 = arith.subi %add3A_152, %sub3A_153 : i32
        %mul3A_155 = arith.constant 8 : i32
        %mul3A_156 = arith.muli %sub3A_154, %mul3A_155 : i32
        %add3A_157 = arith.addi %mul3A_2, %mul3A_156 : i32
        %dma_start3A_158 = arith.constant 0 : i32
        %dma_start3A_159 = tpu.memref_slice %arg2[%add3A_157, %dma_start3A_158] : memref<16384x2048xf32, #tpu.memory_space<hbm>> -> memref<8x2048xf32, #tpu.memory_space<hbm>>
        %dma_start3A_160 = arith.constant 0 : i32
        %dma_start3A_161 = tpu.memref_slice %arg2[%add3A_157, %dma_start3A_160] : memref<16384x2048xf32, #tpu.memory_space<hbm>> -> memref<8x2048xf32, #tpu.memory_space<hbm>>
        tpu.enqueue_dma source(%dma_start3A_161 : memref<8x2048xf32, #tpu.memory_space<hbm>>) target(%arg7 : memref<8x2048xf32, #tpu.memory_space<vmem>>) target_semaphore(%arg13 : memref<!tpu.dma_semaphore, #tpu.memory_space<semaphore_mem>>)
      } else {
      }
      %dma_wait3A_130 = arith.constant 0 : i32
      %dma_wait3A_131 = arith.constant 0 : i32
      %dma_wait3A_132 = tpu.memref_slice %arg2[%dma_wait3A_130, %dma_wait3A_131] : memref<16384x2048xf32, #tpu.memory_space<hbm>> -> memref<8x2048xf32, #tpu.memory_space<hbm>>
      %dma_wait3A_133 = arith.constant 0 : i32
      %dma_wait3A_134 = arith.constant 0 : i32
      %dma_wait3A_135 = tpu.memref_slice %arg2[%dma_wait3A_133, %dma_wait3A_134] : memref<16384x2048xf32, #tpu.memory_space<hbm>> -> memref<8x2048xf32, #tpu.memory_space<hbm>>
      tpu.wait_dma2 semaphore(%arg14 : memref<!tpu.dma_semaphore, #tpu.memory_space<semaphore_mem>>) src(%dma_wait3A_135 : memref<8x2048xf32, #tpu.memory_space<hbm>>) dst(%arg8 : memref<8x2048xf32, #tpu.memory_space<vmem>>)
      %ge3A_136 = arith.constant 3 : i32
      %ge3A_137 = arith.cmpi sge, %add3A_120, %ge3A_136 : i32
      %convert_element_type3A_138 = arith.extui %ge3A_137 : i1 to i32
      %cond3A_139 = arith.constant 0 : i32
      %cond3A_140 = arith.cmpi ne, %convert_element_type3A_138, %cond3A_139 : i32
      scf.if %cond3A_140 {
        %dma_wait3A_151 = arith.constant 0 : i32
        %dma_wait3A_152 = arith.constant 0 : i32
        %dma_wait3A_153 = tpu.memref_slice %arg4[%dma_wait3A_151, %dma_wait3A_152] : memref<16384x2048xf32, #tpu.memory_space<hbm>> -> memref<8x2048xf32, #tpu.memory_space<hbm>>
        %dma_wait3A_154 = arith.constant 0 : i32
        %dma_wait3A_155 = arith.constant 0 : i32
        %dma_wait3A_156 = tpu.memref_slice %arg4[%dma_wait3A_154, %dma_wait3A_155] : memref<16384x2048xf32, #tpu.memory_space<hbm>> -> memref<8x2048xf32, #tpu.memory_space<hbm>>
        tpu.wait_dma2 semaphore(%arg17 : memref<!tpu.dma_semaphore, #tpu.memory_space<semaphore_mem>>) src(%arg11 : memref<8x2048xf32, #tpu.memory_space<vmem>>) dst(%dma_wait3A_156 : memref<8x2048xf32, #tpu.memory_space<hbm>>)
      } else {
      }
      %parallel_loop3A_141 = arith.constant 0 : i32
      %parallel_loop3A_142 = arith.constant 128 : i32
      %parallel_loop3A_143 = arith.constant 1 : i32
      scf.for %parallel_loop3A_151 = %parallel_loop3A_141 to %parallel_loop3A_142 step %parallel_loop3A_143  : i32 {
        %parallel_loop3A_152 = arith.constant 16 : i32
        %parallel_loop3A_153 = arith.muli %parallel_loop3A_151, %parallel_loop3A_152 : i32
        %parallel_loop3A_154 = arith.index_cast %parallel_loop3A_153 : i32 to index
        %parallel_loop3A_155 = tpu.vector_load %arg5[%parallel_loop3A_154] {strides = array<i32>} : memref<2048xi32, #tpu.memory_space<vmem>>, vector<16xi32>,
        %parallel_loop3A_156 = arith.constant 0 : i32
        %parallel_loop3A_157 = vector.broadcast %parallel_loop3A_156 : i32 to vector<16xi32>
        %parallel_loop3A_158 = tpu.vector_load_idx %arg8[%parallel_loop3A_157, %parallel_loop3A_155] : memref<8x2048xf32, #tpu.memory_space<vmem>>[vector<16xi32>, vector<16xi32>], vector<16xf32>,
        %parallel_loop3A_159 = arith.constant 0 : i32
        %parallel_loop3A_160 = arith.index_cast %parallel_loop3A_159 : i32 to index
        %parallel_loop3A_161 = arith.index_cast %parallel_loop3A_153 : i32 to index
        %parallel_loop3A_162 = tpu.vector_load %arg11[%parallel_loop3A_160, %parallel_loop3A_161] {strides = array<i32>} : memref<8x2048xf32, #tpu.memory_space<vmem>>, vector<16xf32>,
        tpu.vector_store %arg11[%parallel_loop3A_160, %parallel_loop3A_161], %parallel_loop3A_158 {strides = array<i32>} : memref<8x2048xf32, #tpu.memory_space<vmem>>, vector<16xf32>,
        %parallel_loop3A_163 = arith.constant 1 : i32
        %parallel_loop3A_164 = vector.broadcast %parallel_loop3A_163 : i32 to vector<16xi32>
        %parallel_loop3A_165 = tpu.vector_load_idx %arg8[%parallel_loop3A_164, %parallel_loop3A_155] : memref<8x2048xf32, #tpu.memory_space<vmem>>[vector<16xi32>, vector<16xi32>], vector<16xf32>,
        %parallel_loop3A_166 = arith.constant 1 : i32
        %parallel_loop3A_167 = arith.index_cast %parallel_loop3A_166 : i32 to index
        %parallel_loop3A_168 = arith.index_cast %parallel_loop3A_153 : i32 to index
        %parallel_loop3A_169 = tpu.vector_load %arg11[%parallel_loop3A_167, %parallel_loop3A_168] {strides = array<i32>} : memref<8x2048xf32, #tpu.memory_space<vmem>>, vector<16xf32>,
        tpu.vector_store %arg11[%parallel_loop3A_167, %parallel_loop3A_168], %parallel_loop3A_165 {strides = array<i32>} : memref<8x2048xf32, #tpu.memory_space<vmem>>, vector<16xf32>,
        %parallel_loop3A_170 = arith.constant 2 : i32
        %parallel_loop3A_171 = vector.broadcast %parallel_loop3A_170 : i32 to vector<16xi32>
        %parallel_loop3A_172 = tpu.vector_load_idx %arg8[%parallel_loop3A_171, %parallel_loop3A_155] : memref<8x2048xf32, #tpu.memory_space<vmem>>[vector<16xi32>, vector<16xi32>], vector<16xf32>,
        %parallel_loop3A_173 = arith.constant 2 : i32
        %parallel_loop3A_174 = arith.index_cast %parallel_loop3A_173 : i32 to index
        %parallel_loop3A_175 = arith.index_cast %parallel_loop3A_153 : i32 to index
        %parallel_loop3A_176 = tpu.vector_load %arg11[%parallel_loop3A_174, %parallel_loop3A_175] {strides = array<i32>} : memref<8x2048xf32, #tpu.memory_space<vmem>>, vector<16xf32>,
        tpu.vector_store %arg11[%parallel_loop3A_174, %parallel_loop3A_175], %parallel_loop3A_172 {strides = array<i32>} : memref<8x2048xf32, #tpu.memory_space<vmem>>, vector<16xf32>,
        %parallel_loop3A_177 = arith.constant 3 : i32
        %parallel_loop3A_178 = vector.broadcast %parallel_loop3A_177 : i32 to vector<16xi32>
        %parallel_loop3A_179 = tpu.vector_load_idx %arg8[%parallel_loop3A_178, %parallel_loop3A_155] : memref<8x2048xf32, #tpu.memory_space<vmem>>[vector<16xi32>, vector<16xi32>], vector<16xf32>,
        %parallel_loop3A_180 = arith.constant 3 : i32
        %parallel_loop3A_181 = arith.index_cast %parallel_loop3A_180 : i32 to index
        %parallel_loop3A_182 = arith.index_cast %parallel_loop3A_153 : i32 to index
        %parallel_loop3A_183 = tpu.vector_load %arg11[%parallel_loop3A_181, %parallel_loop3A_182] {strides = array<i32>} : memref<8x2048xf32, #tpu.memory_space<vmem>>, vector<16xf32>,
        tpu.vector_store %arg11[%parallel_loop3A_181, %parallel_loop3A_182], %parallel_loop3A_179 {strides = array<i32>} : memref<8x2048xf32, #tpu.memory_space<vmem>>, vector<16xf32>,
        %parallel_loop3A_184 = arith.constant 4 : i32
        %parallel_loop3A_185 = vector.broadcast %parallel_loop3A_184 : i32 to vector<16xi32>
        %parallel_loop3A_186 = tpu.vector_load_idx %arg8[%parallel_loop3A_185, %parallel_loop3A_155] : memref<8x2048xf32, #tpu.memory_space<vmem>>[vector<16xi32>, vector<16xi32>], vector<16xf32>,
        %parallel_loop3A_187 = arith.constant 4 : i32
        %parallel_loop3A_188 = arith.index_cast %parallel_loop3A_187 : i32 to index
        %parallel_loop3A_189 = arith.index_cast %parallel_loop3A_153 : i32 to index
        %parallel_loop3A_190 = tpu.vector_load %arg11[%parallel_loop3A_188, %parallel_loop3A_189] {strides = array<i32>} : memref<8x2048xf32, #tpu.memory_space<vmem>>, vector<16xf32>,
        tpu.vector_store %arg11[%parallel_loop3A_188, %parallel_loop3A_189], %parallel_loop3A_186 {strides = array<i32>} : memref<8x2048xf32, #tpu.memory_space<vmem>>, vector<16xf32>,
        %parallel_loop3A_191 = arith.constant 5 : i32
        %parallel_loop3A_192 = vector.broadcast %parallel_loop3A_191 : i32 to vector<16xi32>
        %parallel_loop3A_193 = tpu.vector_load_idx %arg8[%parallel_loop3A_192, %parallel_loop3A_155] : memref<8x2048xf32, #tpu.memory_space<vmem>>[vector<16xi32>, vector<16xi32>], vector<16xf32>,
        %parallel_loop3A_194 = arith.constant 5 : i32
        %parallel_loop3A_195 = arith.index_cast %parallel_loop3A_194 : i32 to index
        %parallel_loop3A_196 = arith.index_cast %parallel_loop3A_153 : i32 to index
        %parallel_loop3A_197 = tpu.vector_load %arg11[%parallel_loop3A_195, %parallel_loop3A_196] {strides = array<i32>} : memref<8x2048xf32, #tpu.memory_space<vmem>>, vector<16xf32>,
        tpu.vector_store %arg11[%parallel_loop3A_195, %parallel_loop3A_196], %parallel_loop3A_193 {strides = array<i32>} : memref<8x2048xf32, #tpu.memory_space<vmem>>, vector<16xf32>,
        %parallel_loop3A_198 = arith.constant 6 : i32
        %parallel_loop3A_199 = vector.broadcast %parallel_loop3A_198 : i32 to vector<16xi32>
        %parallel_loop3A_200 = tpu.vector_load_idx %arg8[%parallel_loop3A_199, %parallel_loop3A_155] : memref<8x2048xf32, #tpu.memory_space<vmem>>[vector<16xi32>, vector<16xi32>], vector<16xf32>,
        %parallel_loop3A_201 = arith.constant 6 : i32
        %parallel_loop3A_202 = arith.index_cast %parallel_loop3A_201 : i32 to index
        %parallel_loop3A_203 = arith.index_cast %parallel_loop3A_153 : i32 to index
        %parallel_loop3A_204 = tpu.vector_load %arg11[%parallel_loop3A_202, %parallel_loop3A_203] {strides = array<i32>} : memref<8x2048xf32, #tpu.memory_space<vmem>>, vector<16xf32>,
        tpu.vector_store %arg11[%parallel_loop3A_202, %parallel_loop3A_203], %parallel_loop3A_200 {strides = array<i32>} : memref<8x2048xf32, #tpu.memory_space<vmem>>, vector<16xf32>,
        %parallel_loop3A_205 = arith.constant 7 : i32
        %parallel_loop3A_206 = vector.broadcast %parallel_loop3A_205 : i32 to vector<16xi32>
        %parallel_loop3A_207 = tpu.vector_load_idx %arg8[%parallel_loop3A_206, %parallel_loop3A_155] : memref<8x2048xf32, #tpu.memory_space<vmem>>[vector<16xi32>, vector<16xi32>], vector<16xf32>,
        %parallel_loop3A_208 = arith.constant 7 : i32
        %parallel_loop3A_209 = arith.index_cast %parallel_loop3A_208 : i32 to index
        %parallel_loop3A_210 = arith.index_cast %parallel_loop3A_153 : i32 to index
        %parallel_loop3A_211 = tpu.vector_load %arg11[%parallel_loop3A_209, %parallel_loop3A_210] {strides = array<i32>} : memref<8x2048xf32, #tpu.memory_space<vmem>>, vector<16xf32>,
        tpu.vector_store %arg11[%parallel_loop3A_209, %parallel_loop3A_210], %parallel_loop3A_207 {strides = array<i32>} : memref<8x2048xf32, #tpu.memory_space<vmem>>, vector<16xf32>,
      } {sc.loop_unroll_factor = 4 : i64, sc.parallel_access}
      %mul3A_144 = arith.constant 8 : i32
      %mul3A_145 = arith.muli %add3A_120, %mul3A_144 : i32
      %add3A_146 = arith.addi %mul3A_2, %mul3A_145 : i32
      %dma_start3A_147 = arith.constant 0 : i32
      %dma_start3A_148 = tpu.memref_slice %arg4[%add3A_146, %dma_start3A_147] : memref<16384x2048xf32, #tpu.memory_space<hbm>> -> memref<8x2048xf32, #tpu.memory_space<hbm>>
      %dma_start3A_149 = arith.constant 0 : i32
      %dma_start3A_150 = tpu.memref_slice %arg4[%add3A_146, %dma_start3A_149] : memref<16384x2048xf32, #tpu.memory_space<hbm>> -> memref<8x2048xf32, #tpu.memory_space<hbm>>
      tpu.enqueue_dma source(%arg11 : memref<8x2048xf32, #tpu.memory_space<vmem>>) target(%dma_start3A_150 : memref<8x2048xf32, #tpu.memory_space<hbm>>) target_semaphore(%arg17 : memref<!tpu.dma_semaphore, #tpu.memory_space<semaphore_mem>>)
    }
    %scan3A_17 = arith.constant 21 : i32
    %dma_wait3A = arith.constant 0 : i32
    %dma_wait3A_18 = arith.constant 0 : i32
    %dma_wait3A_19 = tpu.memref_slice %arg2[%dma_wait3A, %dma_wait3A_18] : memref<16384x2048xf32, #tpu.memory_space<hbm>> -> memref<8x2048xf32, #tpu.memory_space<hbm>>
    %dma_wait3A_20 = arith.constant 0 : i32
    %dma_wait3A_21 = arith.constant 0 : i32
    %dma_wait3A_22 = tpu.memref_slice %arg2[%dma_wait3A_20, %dma_wait3A_21] : memref<16384x2048xf32, #tpu.memory_space<hbm>> -> memref<8x2048xf32, #tpu.memory_space<hbm>>
    tpu.wait_dma2 semaphore(%arg12 : memref<!tpu.dma_semaphore, #tpu.memory_space<semaphore_mem>>) src(%dma_wait3A_22 : memref<8x2048xf32, #tpu.memory_space<hbm>>) dst(%arg6 : memref<8x2048xf32, #tpu.memory_space<vmem>>)
    %dma_wait3A_23 = arith.constant 0 : i32
    %dma_wait3A_24 = arith.constant 0 : i32
    %dma_wait3A_25 = tpu.memref_slice %arg4[%dma_wait3A_23, %dma_wait3A_24] : memref<16384x2048xf32, #tpu.memory_space<hbm>> -> memref<8x2048xf32, #tpu.memory_space<hbm>>
    %dma_wait3A_26 = arith.constant 0 : i32
    %dma_wait3A_27 = arith.constant 0 : i32
    %dma_wait3A_28 = tpu.memref_slice %arg4[%dma_wait3A_26, %dma_wait3A_27] : memref<16384x2048xf32, #tpu.memory_space<hbm>> -> memref<8x2048xf32, #tpu.memory_space<hbm>>
    tpu.wait_dma2 semaphore(%arg15 : memref<!tpu.dma_semaphore, #tpu.memory_space<semaphore_mem>>) src(%arg9 : memref<8x2048xf32, #tpu.memory_space<vmem>>) dst(%dma_wait3A_28 : memref<8x2048xf32, #tpu.memory_space<hbm>>)
    %parallel_loop3A = arith.constant 0 : i32
    %parallel_loop3A_29 = arith.constant 128 : i32
    %parallel_loop3A_30 = arith.constant 1 : i32
    scf.for %parallel_loop3A_55 = %parallel_loop3A to %parallel_loop3A_29 step %parallel_loop3A_30  : i32 {
      %parallel_loop3A_56 = arith.constant 16 : i32
      %parallel_loop3A_57 = arith.muli %parallel_loop3A_55, %parallel_loop3A_56 : i32
      %parallel_loop3A_58 = arith.index_cast %parallel_loop3A_57 : i32 to index
      %parallel_loop3A_59 = tpu.vector_load %arg5[%parallel_loop3A_58] {strides = array<i32>} : memref<2048xi32, #tpu.memory_space<vmem>>, vector<16xi32>,
      %parallel_loop3A_60 = arith.constant 0 : i32
      %parallel_loop3A_61 = vector.broadcast %parallel_loop3A_60 : i32 to vector<16xi32>
      %parallel_loop3A_62 = tpu.vector_load_idx %arg6[%parallel_loop3A_61, %parallel_loop3A_59] : memref<8x2048xf32, #tpu.memory_space<vmem>>[vector<16xi32>, vector<16xi32>], vector<16xf32>,
      %parallel_loop3A_63 = arith.constant 0 : i32
      %parallel_loop3A_64 = arith.index_cast %parallel_loop3A_63 : i32 to index
      %parallel_loop3A_65 = arith.index_cast %parallel_loop3A_57 : i32 to index
      %parallel_loop3A_66 = tpu.vector_load %arg9[%parallel_loop3A_64, %parallel_loop3A_65] {strides = array<i32>} : memref<8x2048xf32, #tpu.memory_space<vmem>>, vector<16xf32>,
      tpu.vector_store %arg9[%parallel_loop3A_64, %parallel_loop3A_65], %parallel_loop3A_62 {strides = array<i32>} : memref<8x2048xf32, #tpu.memory_space<vmem>>, vector<16xf32>,
      %parallel_loop3A_67 = arith.constant 1 : i32
      %parallel_loop3A_68 = vector.broadcast %parallel_loop3A_67 : i32 to vector<16xi32>
      %parallel_loop3A_69 = tpu.vector_load_idx %arg6[%parallel_loop3A_68, %parallel_loop3A_59] : memref<8x2048xf32, #tpu.memory_space<vmem>>[vector<16xi32>, vector<16xi32>], vector<16xf32>,
      %parallel_loop3A_70 = arith.constant 1 : i32
      %parallel_loop3A_71 = arith.index_cast %parallel_loop3A_70 : i32 to index
      %parallel_loop3A_72 = arith.index_cast %parallel_loop3A_57 : i32 to index
      %parallel_loop3A_73 = tpu.vector_load %arg9[%parallel_loop3A_71, %parallel_loop3A_72] {strides = array<i32>} : memref<8x2048xf32, #tpu.memory_space<vmem>>, vector<16xf32>,
      tpu.vector_store %arg9[%parallel_loop3A_71, %parallel_loop3A_72], %parallel_loop3A_69 {strides = array<i32>} : memref<8x2048xf32, #tpu.memory_space<vmem>>, vector<16xf32>,
      %parallel_loop3A_74 = arith.constant 2 : i32
      %parallel_loop3A_75 = vector.broadcast %parallel_loop3A_74 : i32 to vector<16xi32>
      %parallel_loop3A_76 = tpu.vector_load_idx %arg6[%parallel_loop3A_75, %parallel_loop3A_59] : memref<8x2048xf32, #tpu.memory_space<vmem>>[vector<16xi32>, vector<16xi32>], vector<16xf32>,
      %parallel_loop3A_77 = arith.constant 2 : i32
      %parallel_loop3A_78 = arith.index_cast %parallel_loop3A_77 : i32 to index
      %parallel_loop3A_79 = arith.index_cast %parallel_loop3A_57 : i32 to index
      %parallel_loop3A_80 = tpu.vector_load %arg9[%parallel_loop3A_78, %parallel_loop3A_79] {strides = array<i32>} : memref<8x2048xf32, #tpu.memory_space<vmem>>, vector<16xf32>,
      tpu.vector_store %arg9[%parallel_loop3A_78, %parallel_loop3A_79], %parallel_loop3A_76 {strides = array<i32>} : memref<8x2048xf32, #tpu.memory_space<vmem>>, vector<16xf32>,
      %parallel_loop3A_81 = arith.constant 3 : i32
      %parallel_loop3A_82 = vector.broadcast %parallel_loop3A_81 : i32 to vector<16xi32>
      %parallel_loop3A_83 = tpu.vector_load_idx %arg6[%parallel_loop3A_82, %parallel_loop3A_59] : memref<8x2048xf32, #tpu.memory_space<vmem>>[vector<16xi32>, vector<16xi32>], vector<16xf32>,
      %parallel_loop3A_84 = arith.constant 3 : i32
      %parallel_loop3A_85 = arith.index_cast %parallel_loop3A_84 : i32 to index
      %parallel_loop3A_86 = arith.index_cast %parallel_loop3A_57 : i32 to index
      %parallel_loop3A_87 = tpu.vector_load %arg9[%parallel_loop3A_85, %parallel_loop3A_86] {strides = array<i32>} : memref<8x2048xf32, #tpu.memory_space<vmem>>, vector<16xf32>,
      tpu.vector_store %arg9[%parallel_loop3A_85, %parallel_loop3A_86], %parallel_loop3A_83 {strides = array<i32>} : memref<8x2048xf32, #tpu.memory_space<vmem>>, vector<16xf32>,
      %parallel_loop3A_88 = arith.constant 4 : i32
      %parallel_loop3A_89 = vector.broadcast %parallel_loop3A_88 : i32 to vector<16xi32>
      %parallel_loop3A_90 = tpu.vector_load_idx %arg6[%parallel_loop3A_89, %parallel_loop3A_59] : memref<8x2048xf32, #tpu.memory_space<vmem>>[vector<16xi32>, vector<16xi32>], vector<16xf32>,
      %parallel_loop3A_91 = arith.constant 4 : i32
      %parallel_loop3A_92 = arith.index_cast %parallel_loop3A_91 : i32 to index
      %parallel_loop3A_93 = arith.index_cast %parallel_loop3A_57 : i32 to index
      %parallel_loop3A_94 = tpu.vector_load %arg9[%parallel_loop3A_92, %parallel_loop3A_93] {strides = array<i32>} : memref<8x2048xf32, #tpu.memory_space<vmem>>, vector<16xf32>,
      tpu.vector_store %arg9[%parallel_loop3A_92, %parallel_loop3A_93], %parallel_loop3A_90 {strides = array<i32>} : memref<8x2048xf32, #tpu.memory_space<vmem>>, vector<16xf32>,
      %parallel_loop3A_95 = arith.constant 5 : i32
      %parallel_loop3A_96 = vector.broadcast %parallel_loop3A_95 : i32 to vector<16xi32>
      %parallel_loop3A_97 = tpu.vector_load_idx %arg6[%parallel_loop3A_96, %parallel_loop3A_59] : memref<8x2048xf32, #tpu.memory_space<vmem>>[vector<16xi32>, vector<16xi32>], vector<16xf32>,
      %parallel_loop3A_98 = arith.constant 5 : i32
      %parallel_loop3A_99 = arith.index_cast %parallel_loop3A_98 : i32 to index
      %parallel_loop3A_100 = arith.index_cast %parallel_loop3A_57 : i32 to index
      %parallel_loop3A_101 = tpu.vector_load %arg9[%parallel_loop3A_99, %parallel_loop3A_100] {strides = array<i32>} : memref<8x2048xf32, #tpu.memory_space<vmem>>, vector<16xf32>,
      tpu.vector_store %arg9[%parallel_loop3A_99, %parallel_loop3A_100], %parallel_loop3A_97 {strides = array<i32>} : memref<8x2048xf32, #tpu.memory_space<vmem>>, vector<16xf32>,
      %parallel_loop3A_102 = arith.constant 6 : i32
      %parallel_loop3A_103 = vector.broadcast %parallel_loop3A_102 : i32 to vector<16xi32>
      %parallel_loop3A_104 = tpu.vector_load_idx %arg6[%parallel_loop3A_103, %parallel_loop3A_59] : memref<8x2048xf32, #tpu.memory_space<vmem>>[vector<16xi32>, vector<16xi32>], vector<16xf32>,
      %parallel_loop3A_105 = arith.constant 6 : i32
      %parallel_loop3A_106 = arith.index_cast %parallel_loop3A_105 : i32 to index
      %parallel_loop3A_107 = arith.index_cast %parallel_loop3A_57 : i32 to index
      %parallel_loop3A_108 = tpu.vector_load %arg9[%parallel_loop3A_106, %parallel_loop3A_107] {strides = array<i32>} : memref<8x2048xf32, #tpu.memory_space<vmem>>, vector<16xf32>,
      tpu.vector_store %arg9[%parallel_loop3A_106, %parallel_loop3A_107], %parallel_loop3A_104 {strides = array<i32>} : memref<8x2048xf32, #tpu.memory_space<vmem>>, vector<16xf32>,
      %parallel_loop3A_109 = arith.constant 7 : i32
      %parallel_loop3A_110 = vector.broadcast %parallel_loop3A_109 : i32 to vector<16xi32>
      %parallel_loop3A_111 = tpu.vector_load_idx %arg6[%parallel_loop3A_110, %parallel_loop3A_59] : memref<8x2048xf32, #tpu.memory_space<vmem>>[vector<16xi32>, vector<16xi32>], vector<16xf32>,
      %parallel_loop3A_112 = arith.constant 7 : i32
      %parallel_loop3A_113 = arith.index_cast %parallel_loop3A_112 : i32 to index
      %parallel_loop3A_114 = arith.index_cast %parallel_loop3A_57 : i32 to index
      %parallel_loop3A_115 = tpu.vector_load %arg9[%parallel_loop3A_113, %parallel_loop3A_114] {strides = array<i32>} : memref<8x2048xf32, #tpu.memory_space<vmem>>, vector<16xf32>,
      tpu.vector_store %arg9[%parallel_loop3A_113, %parallel_loop3A_114], %parallel_loop3A_111 {strides = array<i32>} : memref<8x2048xf32, #tpu.memory_space<vmem>>, vector<16xf32>,
    } {sc.loop_unroll_factor = 4 : i64, sc.parallel_access}
    %add3A_31 = arith.constant 504 : i32
    %add3A_32 = arith.addi %mul3A_2, %add3A_31 : i32
    %dma_start3A_33 = arith.constant 0 : i32
    %dma_start3A_34 = tpu.memref_slice %arg4[%add3A_32, %dma_start3A_33] : memref<16384x2048xf32, #tpu.memory_space<hbm>> -> memref<8x2048xf32, #tpu.memory_space<hbm>>
    %dma_start3A_35 = arith.constant 0 : i32
    %dma_start3A_36 = tpu.memref_slice %arg4[%add3A_32, %dma_start3A_35] : memref<16384x2048xf32, #tpu.memory_space<hbm>> -> memref<8x2048xf32, #tpu.memory_space<hbm>>
    tpu.enqueue_dma source(%arg9 : memref<8x2048xf32, #tpu.memory_space<vmem>>) target(%dma_start3A_36 : memref<8x2048xf32, #tpu.memory_space<hbm>>) target_semaphore(%arg15 : memref<!tpu.dma_semaphore, #tpu.memory_space<semaphore_mem>>)
    %dma_wait3A_37 = arith.constant 0 : i32
    %dma_wait3A_38 = arith.constant 0 : i32
    %dma_wait3A_39 = tpu.memref_slice %arg4[%dma_wait3A_37, %dma_wait3A_38] : memref<16384x2048xf32, #tpu.memory_space<hbm>> -> memref<8x2048xf32, #tpu.memory_space<hbm>>
    %dma_wait3A_40 = arith.constant 0 : i32
    %dma_wait3A_41 = arith.constant 0 : i32
    %dma_wait3A_42 = tpu.memref_slice %arg4[%dma_wait3A_40, %dma_wait3A_41] : memref<16384x2048xf32, #tpu.memory_space<hbm>> -> memref<8x2048xf32, #tpu.memory_space<hbm>>
    tpu.wait_dma2 semaphore(%arg15 : memref<!tpu.dma_semaphore, #tpu.memory_space<semaphore_mem>>) src(%arg9 : memref<8x2048xf32, #tpu.memory_space<vmem>>) dst(%dma_wait3A_42 : memref<8x2048xf32, #tpu.memory_space<hbm>>)
    %dma_wait3A_43 = arith.constant 0 : i32
    %dma_wait3A_44 = arith.constant 0 : i32
    %dma_wait3A_45 = tpu.memref_slice %arg4[%dma_wait3A_43, %dma_wait3A_44] : memref<16384x2048xf32, #tpu.memory_space<hbm>> -> memref<8x2048xf32, #tpu.memory_space<hbm>>
    %dma_wait3A_46 = arith.constant 0 : i32
    %dma_wait3A_47 = arith.constant 0 : i32
    %dma_wait3A_48 = tpu.memref_slice %arg4[%dma_wait3A_46, %dma_wait3A_47] : memref<16384x2048xf32, #tpu.memory_space<hbm>> -> memref<8x2048xf32, #tpu.memory_space<hbm>>
    tpu.wait_dma2 semaphore(%arg16 : memref<!tpu.dma_semaphore, #tpu.memory_space<semaphore_mem>>) src(%arg10 : memref<8x2048xf32, #tpu.memory_space<vmem>>) dst(%dma_wait3A_48 : memref<8x2048xf32, #tpu.memory_space<hbm>>)
    %dma_wait3A_49 = arith.constant 0 : i32
    %dma_wait3A_50 = arith.constant 0 : i32
    %dma_wait3A_51 = tpu.memref_slice %arg4[%dma_wait3A_49, %dma_wait3A_50] : memref<16384x2048xf32, #tpu.memory_space<hbm>> -> memref<8x2048xf32, #tpu.memory_space<hbm>>
    %dma_wait3A_52 = arith.constant 0 : i32
    %dma_wait3A_53 = arith.constant 0 : i32
    %dma_wait3A_54 = tpu.memref_slice %arg4[%dma_wait3A_52, %dma_wait3A_53] : memref<16384x2048xf32, #tpu.memory_space<hbm>> -> memref<8x2048xf32, #tpu.memory_space<hbm>>
    tpu.wait_dma2 semaphore(%arg17 : memref<!tpu.dma_semaphore, #tpu.memory_space<semaphore_mem>>) src(%arg11 : memref<8x2048xf32, #tpu.memory_space<vmem>>) dst(%dma_wait3A_54 : memref<8x2048xf32, #tpu.memory_space<hbm>>)
    return
  }
}

</mosaic_0001>

<sc_bundles>
// kernel: kernel.3.cloned.1.call-start
scs
__scs_entry_jumppad:
0x0: {  	(pc) =	sbr.rel $0x88, $3  }
0x1: {  	(tag) =	ssettag $0x0;
	lr =	simm.s32 $0x1  }
0x2: {  	[smem:$0x3F9F] =	sst lr;
	_ =	strace $0xD0000000  }
0x3: {  	_ = 	snop  }
0x4: {  	_ = 	snop  }
0x5: {  	_ = 	snop  }
0x6: {  	_ = 	snop  }
0x7: {  	_ = 	snop  }
__scs_overlays_trampoline_lowered:
0x8: {  	[smem:$0x3FAE] =	sst s0  }
0x9: {  	[smem:$0x3FAF] =	sst s1  }
0xa: {  	[smem:$0x3FB0] =	sst s2  }
0xb: {  	[smem:$0x3FB1] =	sst s3  }
0xc: {  	[smem:$0x3FB2] =	sst s4  }
0xd: {  	[smem:$0x3FB3] =	sst s5  }
0xe: {  	[smem:$0x3FB4] =	sst s6  }
0xf: {  	[smem:$0x3FB5] =	sst s7  }
0x10: {  	[smem:$0x3FB6] =	sst s8  }
0x11: {  	[smem:$0x3FB7] =	sst s9;
	s0 =	simm.s32 @!p0 $0x0  }
0x12: {  	s1 =	sld [smem:$0x3F9D];
	s0 =	simm.s32 @p0 $0x1  }
0x13: {  	[smem:$0x3FB8] =	sst s0;
	s0 =	simm.s32 @!p1 $0x0  }
0x14: {  	s2 =	sld [smem:$0x3F9C];
	s0 =	simm.s32 @p1 $0x1  }
0x15: {  	[smem:$0x3FB9] =	sst s0;
	s0 =	simm.s32 @!p2 $0x0  }
0x16: {  	s3 =	sld [smem:$0x3FDB];
	s0 =	simm.s32 @p2 $0x1  }
0x17: {  	s4 =	simm.s32 $0x1BF5;
	[smem:$0x3FBB] =	sst s0  }
0x18: {  	s0 =	sld [smem:$0x3F9E];
	_ =	swait.ge [sflag:s4], $0x0  }
0x19: {  	s7 =	sld [smem:$0x3F9F]  }
0x1a: {  	s8 =	sadd.s32 $0xFFFFE003, lr  }
0x1b: {  	s9 =	sadd.s32 $0xFFFFFEF7, lr;
	s5 =	simm.s32 $0xFFFFFFFF;
	p2 =	slt.u32 s8, $0xFFFFF086  }
0x1c: {  	p1 =	slt.u32 s9, $0xF7A;
	s5 =	simm.s32 @!p2 $0x0  }
0x1d: {  	s5 =	simm.s32 @p1 $0x1;
	p0 =	seq.s32 s7, s2  }
0x1e: {  	s7 =	smul.u32 @!p0 $0xF7A, s2;
	p2 =	seq.s32 @!p0 s5, $0x0  }
0x1f: {  	s9 =	smul.u32 $0xF7A, s1;
	s8 =	simm.s32 @!p0 $0x1BF5;
	p2 =	por !p2, p0  }
0x20: {  	[sflag:s8] =	ssyncset.s32 @!p0 $0xFFFFF086;
	s6 =	sadd.s32 @!p0 s3, s7;
	s7 =	simm.s32 @!p0 $0x108  }
0x21: {  	s3 =	sadd.s32 s3, s9;
	s6 =	sadd.s32 @!p0 $0x88, s6;
	s7 =	simm.s32 @p2 $0x1082  }
0x22: {  	[simem:s7], [sflag:s8] =	dma.local @!p0 [hbm:s6], $0xF7A  }
0x23: {  	s9 =	sor.u32 $0xD0000000, s2;
	s6 =	simm.s32 $0x108;
	_ =	swait.ge @!p0 [sflag:s8], $0x0  }
0x24: {  	s3 =	sadd.s32 $0x88, s3;
	s6 =	simm.s32 @!p1 $0x1082;
	[sflag:s4] =	ssyncset.s32 $0xFFFFF086  }
0x25: {  	[simem:s6], [sflag:s4] =	dma.local [hbm:s3], $0xF7A  }
0x26: {  	[smem:$0x3F9F] =	sst s1;
	(tag) =	ssettag s2;
	_ =	strace s9  }
0x27: {  	s1 =	sld [smem:$0x3FAF]  }
0x28: {  	s2 =	sld [smem:$0x3FB0]  }
0x29: {  	s4 =	sld [smem:$0x3FB2]  }
0x2a: {  	p0 =	seq.s32 s5, $0x0;
	s5 =	sld [smem:$0x3FB3]  }
0x2b: {  	s6 =	sld [smem:$0x3FB4]  }
0x2c: {  	s7 =	sld [smem:$0x3FB5]  }
0x2d: {  	s3 =	simm.s32 $0x108;
	s8 =	sld [smem:$0x3FB6]  }
0x2e: {  	s3 =	simm.s32 @!p0 $0x1082;
	s9 =	sld [smem:$0x3FB7]  }
0x2f: {  	lr =	sadd.s32 s0, s3;
	s0 =	sld [smem:$0x3FAE]  }
0x30: {  	s3 =	sld [smem:$0x3FB1]  }
0x31: {  	[smem:$0x3FBA] =	sst s10  }
0x32: {  	s10 =	sld [smem:$0x3FB8];
	_ =	sdelay $0x3  }
0x33: {  	p0 =	seq.s32 s10, $0x1;
	s10 =	sld [smem:$0x3FBA];
	_ =	sdelay $0x3  }
0x34: {  	[smem:$0x3FBA] =	sst s10  }
0x35: {  	s10 =	sld [smem:$0x3FB9];
	_ =	sdelay $0x3  }
0x36: {  	p1 =	seq.s32 s10, $0x1;
	s10 =	sld [smem:$0x3FBA];
	_ =	sdelay $0x3  }
0x37: {  	[smem:$0x3FBA] =	sst s10  }
0x38: {  	s10 =	sld [smem:$0x3FBB]  }
0x39: {  	_ = 	snop;
	(pc) =	sbr.ind lr, $3  }
0x3a: {  	_ = 	snop  }
0x3b: {  	_ = 	snop  }
0x3c: {  	p2 =	seq.s32 s10, $0x1;
	s10 =	sld [smem:$0x3FBA]  }
0x3d: {  	_ =	shalt  }
0x3e: {  	_ =	shalt  }
0x3f: {  	_ =	shalt  }
0x40: {  	_ =	shalt  }
0x41: {  	_ =	shalt  }
0x42: {  	_ =	shalt  }
0x43: {  	_ =	shalt  }
0x44: {  	_ =	shalt  }
0x45: {  	_ =	shalt  }
0x46: {  	_ =	shalt  }
0x47: {  	_ =	shalt  }
0x48: {  	_ =	shalt  }
0x49: {  	_ =	shalt  }
0x4a: {  	_ =	shalt  }
0x4b: {  	_ =	shalt  }
0x4c: {  	_ =	shalt  }
0x4d: {  	_ =	shalt  }
0x4e: {  	_ =	shalt  }
0x4f: {  	_ =	shalt  }
0x50: {  	_ =	shalt  }
0x51: {  	_ =	shalt  }
0x52: {  	_ =	shalt  }
0x53: {  	_ =	shalt  }
0x54: {  	_ =	shalt  }
0x55: {  	_ =	shalt  }
0x56: {  	_ =	shalt  }
0x57: {  	_ =	shalt  }
0x58: {  	_ =	shalt  }
0x59: {  	_ =	shalt  }
0x5a: {  	_ =	shalt  }
0x5b: {  	_ =	shalt  }
0x5c: {  	_ =	shalt  }
0x5d: {  	_ =	shalt  }
0x5e: {  	_ =	shalt  }
0x5f: {  	_ =	shalt  }
0x60: {  	_ =	shalt  }
0x61: {  	_ =	shalt  }
0x62: {  	_ =	shalt  }
0x63: {  	_ =	shalt  }
0x64: {  	_ =	shalt  }
0x65: {  	_ =	shalt  }
0x66: {  	_ =	shalt  }
0x67: {  	_ =	shalt  }
0x68: {  	_ =	shalt  }
0x69: {  	_ =	shalt  }
0x6a: {  	_ =	shalt  }
0x6b: {  	_ =	shalt  }
0x6c: {  	_ =	shalt  }
0x6d: {  	_ =	shalt  }
0x6e: {  	_ =	shalt  }
0x6f: {  	_ =	shalt  }
0x70: {  	_ =	shalt  }
0x71: {  	_ =	shalt  }
0x72: {  	_ =	shalt  }
0x73: {  	_ =	shalt  }
0x74: {  	_ =	shalt  }
0x75: {  	_ =	shalt  }
0x76: {  	_ =	shalt  }
0x77: {  	_ =	shalt  }
0x78: {  	_ =	shalt  }
0x79: {  	_ =	shalt  }
0x7a: {  	_ =	shalt  }
0x7b: {  	_ =	shalt  }
0x7c: {  	_ =	shalt  }
0x7d: {  	_ =	shalt  }
0x7e: {  	_ =	shalt  }
0x7f: {  	_ =	shalt  }
0x80: {  	_ =	shalt  }
0x81: {  	_ =	shalt  }
0x82: {  	_ =	shalt  }
0x83: {  	_ =	shalt  }
0x84: {  	_ =	shalt  }
0x85: {  	_ =	shalt  }
0x86: {  	_ =	shalt  }
0x87: {  	_ =	shalt  }
.Lfunc_end0:
.L_simem_size_0:
called_computation_lowered:
.L_overlay_start_0:
0x88: {  	s2 =	sld [smem:$0x3FD9]  }
0x89: {  	s3 =	sld [smem:$0x3FFE];
	_ =	sdelay $0x1  }
0x8a: {  	s1 =	srdreg.scid  }
0x8b: {  	s0 =	sand.u32 $0x1, s1  }
0x8c: {  	s15 =	sshll.u32 s0, $0xA;
	s2 =	sadd.s32 s3, s2  }
0x8d: {  	s2 =	sadd.s32 s2, s15  }
0x8e: {  	[smem:$0x3FC6] =	sst s2  }
0x8f: {  	_ = 	snop  }
0x90: {  	s2 =	sld [smem:$0x3FD0];
	_ =	sdelay $0x1  }
0x91: {  	s16 =	sld [smem:$0x3FC9]  }
0x92: {  	s5 =	simm.s32 $0xA;
	s6 =	simm.s32 $0x10;
	s4 =	sld [smem:$0x3FC8]  }
0x93: {  	[smem:s6], [sflag:s5] =	dma.local [hbm:s2], $0x1  }
0x94: {  	_ =	swait.eq [sflag:s5], $0x1  }
0x95: {  	[sflag:s5] =	ssyncset.done $0x0  }
0x96: {  	[sflag:s5] =	ssyncadd.s32 $0xFFFFFFFF  }
0x97: {  	s17 =	sld [smem:$0x10];
	(tm) =	ssettm $0x1  }
0x98: {  	s18 =	sld [smem:$0x3FFB];
	_ =	sdelay $0x3  }
0x99: {  	_ =	strace s18  }
0x9a: {  	s5 =	sld [smem:$0x3FFC];
	_ =	sdelay $0x3  }
0x9b: {  	_ =	strace s5  }
0x9c: {  	s5 =	sld [smem:$0x3FFD];
	_ =	sdelay $0x3  }
0x9d: {  	_ =	strace s5  }
0x9e: {  	_ =	strace $0x8FFFFFFF  }
0x9f: {  	s19 =	sld [smem:$0x3FDB];
	_ =	sdelay $0x1  }
0xa0: {  	s20 =	simm.s32 $_scs_section_size  }
0xa1: {  	s7 =	simm.s32 $_size__tile_overlayer_lowered;
	s8 =	simm.s32 $_tile_overlayer_lowered  }
0xa2: {  	s23 =	simm.s32 $0x1BFF;
	s22 =	sshll.u32 s8, $0x1;
	s5 =	sadd.s32 s20, s19  }
0xa3: {  	s9 =	simm.s32 $0x0;
	s21 =	sshll.u32 s7, $0x1;
	s7 =	sadd.s32 s22, s5  }
0xa4: {  	[timem:s9], [sflag:s23] =	dma.local [hbm:s7], s21  }
0xa5: {  	_ =	swait.ge [sflag:s23], s21  }
0xa6: {  	s6 =	ssub.s32 $0x0, s21;
	[sflag:s23] =	ssyncset.done $0x0  }
0xa7: {  	[sflag:s23] =	ssyncadd.s32 s6;
	_ =	sdelay $0x1  }
0xa8: {  	s24 =	simm.s32 $0x1B8B  }
0xa9: {  	_ =	swait.ge [sflag:s24], $0x1  }
0xaa: {  	[sflag:s24] =	ssyncset.done $0x0  }
0xab: {  	s25 =	simm.s32 $0x1B8E;
	[sflag:s24] =	ssyncadd.s32 $0xFFFFFFFF  }
0xac: {  	s26 =	simm.s32 $execute0_lowered;
	[smem:$0x3FD2] =	sst s25  }
0xad: {  	s6 =	sshll.u32 s26, $0x1;
	_ =	strace $0x80000046;
	[dreg:$0x1] =	wrdreg $0xFFFFFFFF  }
0xae: {  	s28 =	simm.s32 $_size_execute0_lowered;
	s5 =	sadd.s32 s5, s6;
	[dreg:$0x0] =	wrdreg $0x0  }
0xaf: {  	s6 =	sshll.u32 s28, $0x1;
	[dreg:$0x2] =	wrdreg s5  }
0xb0: {  	[dreg:$0x3] =	wrdreg s6  }
0xb1: {  	[dreg:$0x4] =	wrdreg $0xC0  }
0xb2: {  	_ =	task [dreg:s9], $0x5FFFF  }
0xb3: {  	[dreg:$0x1] =	wrdreg $0xFFFFFFFF  }
0xb4: {  	[dreg:$0x0] =	wrdreg $0x60  }
0xb5: {  	[dreg:$0x2] =	wrdreg s16  }
0xb6: {  	[dreg:$0x3] =	wrdreg s4  }
0xb7: {  	[dreg:$0x4] =	wrdreg s17  }
0xb8: {  	[dreg:$0x5] =	wrdreg $0x9  }
0xb9: {  	_ =	task.clear_ibuf [dreg:s9], $0x6FFFF;
	_ =	strace $0x90000046  }
0xba: {  	s29 =	simm.s32 $0x9;
	_ =	strace $0x80000048  }
0xbb: {  	_ =	swait.ge [sflag:s29], $0x1  }
0xbc: {  	[sflag:s29] =	ssyncadd.s32 $0xFFFFFFFF  }
0xbd: {  	_ =	strace $0x90000048  }
0xbe: {  	_ =	sfence  }
0xbf: {  	s30 =	sld [smem:$0x0];
	_ =	sdelay $0x2  }
0xc0: {  	s31 =	sshll.u32 s1, $0xD;
	s1 =	sshrl.u32 s1, $0x2  }
0xc1: {  	s3 =	sand.u32 $0x4000, s31;
	s1 =	sadd.s32 s1, s30  }
0xc2: {  	s0 =	sor.u32 s3, s0;
	s1 =	sshll.u32 s1, $0x11  }
0xc3: {  	s0 =	sor.u32 s1, s0  }
0xc4: {  	s0 =	sadd.s32 $0x8F2B, s0  }
0xc5: {  	[sflag:s0] =	ssyncadd.remote.s32 $0x1  }
0xc6: {  	_ =	sfence.sel $0xFFFF  }
0xc7: {  	[dreg:$0x0] =	wrdreg $0xFFFFFFFF;
	(pc) =	sbr.abs _section_cstart, $3  }
0xc8: {  	[dreg:$0x1] =	wrdreg $0xFFFFFFFF  }
0xc9: {  	_ =	task.clear_ibuf [dreg:s9], $0x2FFFF;
	_ =	strace $0x9FFFFFFF  }
0xca: {  	(tm) =	ssettm $0x7FFFFFFF  }
0xcb: {  	_ =	shalt  }
tec
execute0_lowered:
.L_overlay_start_1:
0x0: {  	(tag) =	ssettag $0x1  }
0x1: {  	s0 =	srdreg.scid  }
0x2: {  	s3 =	rddreg [dreg:$0x0];
	s1 =	stileid.u32;
	s0 =	sand.u32 $0x1, s0  }
0x3: {  	s5 =	simm.s32 $0x0;
	s1 =	sshll.u32 s1, $0xA;
	s2 =	sshll.u32 s0, $0x9  }
0x4: {  	[smem:$0x7FF] =	sst s5;
	s6 =	sor.u32 s2, s1  }
0x5: {  	s4 =	rddreg [dreg:$0x2];
	_ =	strace $0x80000047;
	s1 =	sshll.u32 s6, $0x8  }
0x6: {  	[dreg:$0x4] =	wrdreg s6;
	s28 =	sshrl.u32 s6, $0x3;
	s3 =	sadd.s32 s3, s1  }
0x7: {  	s16 =	simm.s32 $0x800;
	s29 =	sor.u32 $0x2, s28;
	[dreg:$0x5] =	wrdreg s3  }
0x8: {  	s0 =	ssub.s32 $0x2, s0;
	s30 =	sor.u32 $0x3, s28;
	[dreg:$0x7] =	wrdreg s29  }
0x9: {  	s25 =	sshrl.u32 s0, $0x1;
	s31 =	sor.u32 $0x1, s28;
	[dreg:$0x8] =	wrdreg s30  }
0xa: {  	s0 =	ssub.s32 s0, s25;
	s2 =	sor.u32 $0x4, s28;
	[dreg:$0x9] =	wrdreg s31  }
0xb: {  	s17 =	simm.s32 $0x4800;
	s0 =	smax.u32 s0, $0x1;
	[dreg:$0xa] =	wrdreg s2  }
0xc: {  	s1 =	sadd.s32 s1, s4;
	s26 =	sadd.s32 $0x800, s3;
	[dreg:$0xc] =	wrdreg s0  }
0xd: {  	s18 =	simm.s32 $0x8800;
	s1 =	sadd.s32 $0x1F800, s1;
	[dreg:$0x6] =	wrdreg s26  }
0xe: {  	s19 =	simm.s32 $0x1;
	s2 =	simm.s32 $0x0;
	[dreg:$0xb] =	wrdreg s1  }
.LBB2_1:
0xf: {  	[dreg:$0xd] =	wrdreg s2  }
0x10: {  	s0 =	rddreg [dreg:$0x1];
	s28 =	simm.s32 $0x7  }
0x11: {  	[tilespmem:s5], [sflag:$0x7] =	stream.linear.gather [hbm4b:s0+s5], $0x800, $0x38;
	[tilespmem:$0x18800] =	vst v63  }
0x12: {  	_ =	swait.ge [sflag:s28], $0x800  }
0x13: {  	[sflag:s28] =	ssyncset.done $0x0  }
0x14: {  	s29 =	rddreg [dreg:$0x5];
	[sflag:s28] =	ssyncadd.s32 $0xFFFFF800  }
0x15: {  	[tilespmem:s16], [sflag:$0x1] =	stream.linear.gather [hbm4b:s29+s5], $0x4000, $0x38;
	[tilespmem:$0x18800] =	vst v63  }
0x16: {  	s30 =	simm.s32 $0x0;
	s31 =	rddreg [dreg:$0x6]  }
0x17: {  	[tilespmem:s17], [sflag:$0x2] =	stream.linear.gather [hbm4b:s31+s5], $0x4000, $0x38;
	[tilespmem:$0x18800] =	vst v63  }
.LBB2_2:
0x18: {  	s2 =	smul.u32 $0x3, s30  }
0x19: {  	s0 =	rddreg [dreg:$0x7]  }
0x1a: {  	s0 =	sadd.s32 s0, s2  }
0x1b: {  	s11 =	rddreg [dreg:$0x0];
	s31 =	sshll.u32 s0, $0xB  }
0x1c: {  	s0 =	sadd.s32 s11, s31  }
0x1d: {  	[tilespmem:s18], [sflag:$0x3] =	stream.linear.gather [hbm4b:s0+s5], $0x4000, $0x38;
	[tilespmem:$0x18800] =	vst v63  }
0x1e: {  	_ =	swait.ge [sflag:s19], $0x4000  }
0x1f: {  	p0 =	seq.s32 s30, $0x0;
	[sflag:s19] =	ssyncset.done $0x0  }
0x20: {  	s1 =	simm.s32 $0x0;
	s0 =	simm.s32 @!p0 $0x4;
	[sflag:s19] =	ssyncadd.s32 $0xFFFFC000  }
0x21: {  	s3 =	sand.u32 $0x40, s1;
	_ =	swait.ge @!p0 [sflag:s0], $0x4000  }
0x22: {  	s4 =	sand.u32 $0x780, s1;
	s6 =	sor.u32 $0x30, s3;
	[sflag:s0] =	ssyncset.done @!p0 $0x0  }
0x23: {  	s12 =	sor.u32 s6, s4;
	[sflag:s0] =	ssyncadd.s32 @!p0 $0xFFFFC000  }
0x24: {  	v0 =	vld [tilespmem:s12+$0x0]  }
0x25: {  	s13 =	sor.u32 $0x10, s3;
	v1 =	vld [tilespmem:s1+$0x0]  }
0x26: {  	s7 =	sor.u32 $0x20, s3;
	s8 =	sor.u32 s13, s4  }
0x27: {  	s4 =	sor.u32 s7, s4;
	v2 =	vld [tilespmem:s8+$0x0]  }
0x28: {  	v3 =	vld [tilespmem:s4+$0x0]  }
0x29: {  	v4 =	vshll.u32 v0, $0x3  }
0x2a: {  	v5 =	vshll.u32 v1, $0x3;
	v0 =	vand.u32 $0x7F, v0;
	v4 =	vand.u32 $0xFFFFFC00, v4  }
0x2b: {  	v1 =	vand.u32 $0x7F, v1;
	v6 =	vand.u32 $0xFFFFFC00, v5;
	v5 =	vor.u32 v0, v4  }
0x2c: {  	v0 =	vor.u32 v1, v6;
	v1 =	vshll.u32 v2, $0x3  }
0x2d: {  	v4 =	vshll.u32 v3, $0x3;
	v2 =	vand.u32 $0x7F, v2;
	v1 =	vand.u32 $0xFFFFFC00, v1  }
0x2e: {  	v6 =	vand.u32 $0xFFFFFC00, v4;
	v4 =	vor.u32 v2, v1;
	v1 =	vand.u32 $0x7F, v3  }
0x2f: {  	v3 =	vor.u32 v1, v6  }
0x30: {  	v1 =	vld.idx.msk [tilespmem:v5+s16+$0x0], $0xffff  }
0x31: {  	v6 =	vor.u32 $0x80, v5;
	v2 =	vld.idx.msk [tilespmem:v0+s16+$0x0], $0xffff  }
0x32: {  	s1 =	sand.u32 $0x3C00, s1;
	v7 =	vor.u32 $0x80, v0  }
0x33: {  	s14 =	sadd.s32 $0xC800, s1;
	v8 =	vld.idx.msk [tilespmem:v4+s16+$0x0], $0xffff  }
0x34: {  	s6 =	sor.u32 s6, s14;
	v9 =	vor.u32 $0x80, v4;
	v10 =	vld.idx.msk [tilespmem:v3+s16+$0x0], $0xffff  }
0x35: {  	s1 =	sor.u32 s3, s14;
	v11 =	vor.u32 $0x80, v3;
	[tilespmem:s6+$0x0] =	vst v1  }
0x36: {  	[tilespmem:s1+$0x0] =	vst v2;
	v1 =	vld.idx.msk [tilespmem:v6+s16+$0x0], $0xffff  }
0x37: {  	s15 =	sor.u32 s13, s14;
	v2 =	vld.idx.msk [tilespmem:v7+s16+$0x0], $0xffff;
	v6 =	vor.u32 $0x100, v5  }
0x38: {  	s20 =	sor.u32 s7, s14;
	v7 =	vor.u32 $0x100, v0;
	[tilespmem:s15+$0x0] =	vst v8  }
0x39: {  	v8 =	vld.idx.msk [tilespmem:v9+s16+$0x0], $0xffff;
	[tilespmem:s20+$0x0] =	vst v10  }
0x3a: {  	v9 =	vor.u32 $0x100, v4;
	v10 =	vld.idx.msk [tilespmem:v11+s16+$0x0], $0xffff  }
0x3b: {  	v11 =	vor.u32 $0x100, v3;
	[tilespmem:s6+$0x80] =	vst v1  }
0x3c: {  	[tilespmem:s1+$0x80] =	vst v2;
	v1 =	vld.idx.msk [tilespmem:v6+s16+$0x0], $0xffff  }
0x3d: {  	v2 =	vld.idx.msk [tilespmem:v7+s16+$0x0], $0xffff;
	v6 =	vor.u32 $0x180, v5  }
0x3e: {  	v7 =	vor.u32 $0x180, v0;
	[tilespmem:s15+$0x80] =	vst v8  }
0x3f: {  	v8 =	vld.idx.msk [tilespmem:v9+s16+$0x0], $0xffff;
	[tilespmem:s20+$0x80] =	vst v10  }
0x40: {  	s0 =	simm.s32 $0x40;
	v9 =	vor.u32 $0x180, v4;
	v10 =	vld.idx.msk [tilespmem:v11+s16+$0x0], $0xffff  }
0x41: {  	s21 =	sand.u32 $0x40, s0;
	v11 =	vld [tilespmem:s0+$0x0];
	[tilespmem:s6+$0x100] =	vst v1  }
0x42: {  	s22 =	sand.u32 $0x780, s0;
	s11 =	sor.u32 $0x30, s21;
	[tilespmem:s1+$0x100] =	vst v2;
	v1 =	vld.idx.msk [tilespmem:v6+s16+$0x0], $0xffff  }
0x43: {  	s10 =	sor.u32 s11, s22;
	v2 =	vor.u32 $0x180, v3;
	v6 =	vld.idx.msk [tilespmem:v7+s16+$0x0], $0xffff  }
0x44: {  	s9 =	sor.u32 $0x10, s21;
	v7 =	vor.u32 $0x200, v5;
	[tilespmem:s15+$0x100] =	vst v8;
	v8 =	vld [tilespmem:s10+$0x0]  }
0x45: {  	s23 =	sor.u32 $0x20, s21;
	s12 =	sor.u32 s9, s22;
	v9 =	vld.idx.msk [tilespmem:v9+s16+$0x0], $0xffff  }
0x46: {  	s4 =	sor.u32 s23, s22;
	v13 =	vld [tilespmem:s12+$0x0];
	v12 =	vor.u32 $0x200, v4;
	v14 =	vshll.u32 v11, $0x3  }
0x47: {  	v15 =	vld [tilespmem:s4+$0x0];
	[tilespmem:s20+$0x100] =	vst v10;
	v10 =	vor.u32 $0x200, v0;
	v11 =	vand.u32 $0x7F, v11;
	v14 =	vand.u32 $0xFFFFFC00, v14  }
0x48: {  	p1 =	por $0x0, $0x0;
	s4 =	simm.s32 $0x1;
	v16 =	vld.idx.msk [tilespmem:v2+s16+$0x0], $0xffff;
	[tilespmem:s6+$0x180] =	vst v1;
	v1 =	vor.u32 v11, v14  }
0x49: {  	s4 =	simm.s32 @!p1 $0x0;
	v11 =	vor.u32 $0x200, v3;
	v7 =	vld.idx.msk [tilespmem:v7+s16+$0x0], $0xffff;
	v2 =	vshll.u32 v8, $0x3  }
0x4a: {  	s4 =	sshll.u32 s4, $0x6;
	v8 =	vand.u32 $0x7F, v8;
	[tilespmem:s15+$0x180] =	vst v9;
	v2 =	vand.u32 $0xFFFFFC00, v2;
	v9 =	vor.u32 $0x280, v5  }
0x4b: {  	v14 =	vor.u32 $0x280, v4;
	[tilespmem:s1+$0x180] =	vst v6;
	s6 =	sadd.s32 $0x0, s4;
	v6 =	vld.idx.msk [tilespmem:v12+s16+$0x0], $0xffff;
	v12 =	vshll.u32 v13, $0x3;
	v2 =	vor.u32 v8, v2  }
0x4c: {  	s1 =	sadd.s32 $0x30, s6;
	v8 =	vld.idx.msk [tilespmem:v10+s16+$0x0], $0xffff;
	v10 =	vshll.u32 v15, $0x3;
	v13 =	vand.u32 $0x7F, v13;
	v12 =	vand.u32 $0xFFFFFC00, v12  }
0x4d: {  	s24 =	sor.u32 $0x200, s1;
	v10 =	vand.u32 $0xFFFFFC00, v10;
	[tilespmem:s20+$0x180] =	vst v16;
	v17 =	vld.idx.msk [tilespmem:v1+s16+$0x0], $0xffff;
	v21 =	vor.u32 v13, v12;
	v12 =	vand.u32 $0x7F, v15  }
0x4e: {  	s8 =	sadd.s32 $0x10, s6;
	v11 =	vld.idx.msk [tilespmem:v11+s16+$0x0], $0xffff;
	v10 =	vor.u32 v12, v10;
	[tilespmem:s24+$0xC800] =	vst v7  }
0x4f: {  	s25 =	sor.u32 $0x200, s8;
	v7 =	vor.u32 $0x280, v0;
	v9 =	vld.idx.msk [tilespmem:v9+s16+$0x0], $0xffff  }
0x50: {  	s3 =	simm.s32 $0x200;
	s4 =	sor.u32 $0x200, s6;
	v12 =	vor.u32 $0x280, v3;
	v13 =	vld.idx.msk [tilespmem:v2+s16+$0x0], $0xffff;
	[tilespmem:s25+$0xC800] =	vst v6  }
0x51: {  	s14 =	sand.u32 $0x3C00, s3;
	s13 =	sadd.s32 $0x20, s6;
	[tilespmem:s4+$0xC800] =	vst v8;
	v8 =	vor.u32 $0x80, v1;
	v6 =	vld.idx.msk [tilespmem:v14+s16+$0x0], $0xffff  }
0x52: {  	s26 =	sor.u32 $0x200, s13;
	s4 =	sadd.s32 $0xC800, s14;
	v14 =	vor.u32 $0x300, v5;
	v15 =	vld.idx.msk [tilespmem:v21+s16+$0x0], $0xffff  }
0x53: {  	v16 =	vor.u32 $0x80, v2;
	s29 =	sor.u32 s21, s4;
	[tilespmem:s26+$0xC800] =	vst v11;
	v18 =	vld.idx.msk [tilespmem:v10+s16+$0x0], $0xffff  }
0x54: {  	s15 =	sor.u32 $0x280, s1;
	v19 =	vor.u32 $0x80, v21;
	[tilespmem:s29+$0x0] =	vst v17;
	v7 =	vld.idx.msk [tilespmem:v7+s16+$0x0], $0xffff  }
0x55: {  	s25 =	sor.u32 s11, s4;
	v11 =	vor.u32 $0x80, v10;
	v12 =	vld.idx.msk [tilespmem:v12+s16+$0x0], $0xffff;
	[tilespmem:s15+$0xC800] =	vst v9  }
0x56: {  	s20 =	sor.u32 $0x280, s8;
	v9 =	vor.u32 $0x300, v4;
	[tilespmem:s25+$0x0] =	vst v13;
	v8 =	vld.idx.msk [tilespmem:v8+s16+$0x0], $0xffff  }
0x57: {  	s22 =	sor.u32 s9, s4;
	v13 =	vld.idx.msk [tilespmem:v14+s16+$0x0], $0xffff;
	v14 =	vor.u32 $0x300, v3;
	[tilespmem:s20+$0xC800] =	vst v6  }
0x58: {  	s7 =	sor.u32 s23, s4;
	v5 =	vor.u32 $0x380, v5;
	v16 =	vld.idx.msk [tilespmem:v16+s16+$0x0], $0xffff;
	[tilespmem:s22+$0x0] =	vst v15  }
0x59: {  	s21 =	sor.u32 $0x280, s13;
	v17 =	vor.u32 $0x100, v2;
	v15 =	vld.idx.msk [tilespmem:v19+s16+$0x0], $0xffff;
	[tilespmem:s7+$0x0] =	vst v18  }
0x5a: {  	v18 =	vor.u32 $0x100, v1;
	[tilespmem:s21+$0xC800] =	vst v12;
	v20 =	vld.idx.msk [tilespmem:v11+s16+$0x0], $0xffff  }
0x5b: {  	s23 =	sor.u32 $0x300, s1;
	v6 =	vor.u32 $0x100, v21;
	v22 =	vld.idx.msk [tilespmem:v9+s16+$0x0], $0xffff;
	[tilespmem:s29+$0x80] =	vst v8  }
0x5c: {  	v23 =	vor.u32 $0x100, v10;
	v14 =	vld.idx.msk [tilespmem:v14+s16+$0x0], $0xffff;
	[tilespmem:s23+$0xC800] =	vst v13  }
0x5d: {  	[tilespmem:s25+$0x80] =	vst v16;
	v16 =	vor.u32 $0x300, v0;
	v24 =	vld.idx.msk [tilespmem:v5+s16+$0x0], $0xffff  }
0x5e: {  	v25 =	vor.u32 $0x380, v4;
	v19 =	vld.idx.msk [tilespmem:v17+s16+$0x0], $0xffff;
	[tilespmem:s22+$0x80] =	vst v15  }
0x5f: {  	s26 =	sor.u32 $0x300, s8;
	v4 =	vor.u32 $0x380, v21;
	v17 =	vld.idx.msk [tilespmem:v18+s16+$0x0], $0xffff;
	[tilespmem:s7+$0x80] =	vst v20  }
0x60: {  	s24 =	sor.u32 $0x280, s6;
	v11 =	vor.u32 $0x200, v21;
	v8 =	vor.u32 $0x280, v21;
	v18 =	vld.idx.msk [tilespmem:v6+s16+$0x0], $0xffff;
	[tilespmem:s26+$0xC800] =	vst v22;
	v22 =	vor.u32 $0x180, v2  }
0x61: {  	s12 =	sor.u32 $0x300, s13;
	s28 =	sor.u32 $0x380, s8;
	[tilespmem:s24+$0xC800] =	vst v7;
	v13 =	vor.u32 $0x180, v21;
	v6 =	vor.u32 $0x300, v21;
	v21 =	vor.u32 $0x180, v1;
	v20 =	vld.idx.msk [tilespmem:v23+s16+$0x0], $0xffff  }
0x62: {  	s14 =	simm.s32 $0x4;
	s1 =	sor.u32 $0x380, s1;
	s13 =	sor.u32 $0x380, s13;
	v3 =	vor.u32 $0x380, v3;
	v12 =	vor.u32 $0x180, v10;
	v7 =	vor.u32 $0x280, v10;
	v15 =	vld.idx.msk [tilespmem:v16+s16+$0x0], $0xffff  }
0x63: {  	s8 =	sor.u32 $0x380, s6;
	s15 =	simm.s32 $0x80;
	v9 =	vor.u32 $0x200, v10;
	v5 =	vor.u32 $0x300, v10;
	v10 =	vor.u32 $0x380, v10;
	s26 =	sor.u32 $0x300, s6;
	v16 =	vld.idx.msk [tilespmem:v25+s16+$0x0], $0xffff;
	[tilespmem:s1+$0xC800] =	vst v24  }
.LBB2_3:
0x64: {  	v23 =	vld [tilespmem:s15+$0x0];
	[tilespmem:s25+$0x100] =	vst v19;
	s0 =	sadd.s32 $0x40, s0  }
0x65: {  	s14 =	sadd.s32 $0x4, s14;
	s20 =	sand.u32 $0x40, s0;
	[tilespmem:s29+$0x100] =	vst v17;
	v17 =	vld.idx.msk [tilespmem:v22+s16+$0x0], $0xffff  }
0x66: {  	s1 =	sand.u32 $0x780, s0;
	p2 =	slt.u32 s14, $0x7C;
	s6 =	sor.u32 $0x30, s20;
	v19 =	vld.idx.msk [tilespmem:v21+s16+$0x0], $0xffff;
	[tilespmem:s22+$0x100] =	vst v18  }
0x67: {  	s10 =	sor.u32 $0x10, s20;
	s9 =	sor.u32 $0x20, s20;
	v18 =	vor.u32 $0x200, v2;
	s4 =	sor.u32 s6, s1;
	v13 =	vld.idx.msk [tilespmem:v13+s16+$0x0], $0xffff;
	[tilespmem:s7+$0x100] =	vst v20  }
0x68: {  	v21 =	vor.u32 $0x200, v1;
	s11 =	sor.u32 s10, s1;
	s1 =	sor.u32 s9, s1;
	v20 =	vld [tilespmem:s4+$0x0];
	[tilespmem:s12+$0xC800] =	vst v14  }
0x69: {  	v14 =	vld [tilespmem:s11+$0x0];
	[tilespmem:s26+$0xC800] =	vst v15  }
0x6a: {  	v15 =	vshll.u32 v23, $0x3;
	v22 =	vld [tilespmem:s1+$0x0];
	[tilespmem:s28+$0xC800] =	vst v16  }
0x6b: {  	v16 =	vand.u32 $0x7F, v23;
	v15 =	vand.u32 $0xFFFFFC00, v15;
	v12 =	vld.idx.msk [tilespmem:v12+s16+$0x0], $0xffff;
	[tilespmem:s25+$0x180] =	vst v17;
	v17 =	vor.u32 $0x380, v0;
	v0 =	vmovc v1  }
0x6c: {  	p1 =	por !p1, !p1;
	s1 =	simm.s32 $0x1;
	v1 =	vor.u32 v16, v15;
	[tilespmem:s29+$0x180] =	vst v19;
	v15 =	vld.idx.msk [tilespmem:v18+s16+$0x0], $0xffff  }
0x6d: {  	s1 =	simm.s32 @!p1 $0x0;
	v16 =	vshll.u32 v20, $0x3;
	v18 =	vld.idx.msk [tilespmem:v21+s16+$0x0], $0xffff;
	[tilespmem:s22+$0x180] =	vst v13  }
0x6e: {  	s1 =	sshll.u32 s1, $0x6;
	v13 =	vand.u32 $0x7F, v20;
	v16 =	vand.u32 $0xFFFFFC00, v16;
	v19 =	vld.idx.msk [tilespmem:v11+s16+$0x0], $0xffff;
	v11 =	vor.u32 $0x280, v2  }
0x6f: {  	s22 =	sadd.s32 s1, s3;
	v20 =	vshll.u32 v14, $0x3;
	v21 =	vshll.u32 v22, $0x3;
	v16 =	vor.u32 v13, v16;
	v23 =	vld.idx.msk [tilespmem:v3+s16+$0x0], $0xffff;
	v3 =	vmovc v10  }
0x70: {  	s25 =	sadd.s32 $0x10, s22;
	s29 =	sadd.s32 $0x20, s22;
	s11 =	sadd.s32 $0x30, s22;
	v10 =	vand.u32 $0x7F, v14;
	v13 =	vand.u32 $0xFFFFFC00, v20;
	v14 =	vand.u32 $0xFFFFFC00, v21;
	v17 =	vld.idx.msk [tilespmem:v17+s16+$0x0], $0xffff  }
0x71: {  	s28 =	sor.u32 $0x200, s25;
	s1 =	sor.u32 $0x200, s11;
	v10 =	vor.u32 v10, v13;
	v13 =	vand.u32 $0x7F, v22;
	v21 =	vor.u32 $0x280, v0;
	v20 =	vld.idx.msk [tilespmem:v1+s16+$0x0], $0xffff;
	[tilespmem:s7+$0x180] =	vst v12;
	s7 =	sor.u32 $0x200, s29  }
0x72: {  	s12 =	sor.u32 $0x200, s22;
	s21 =	sor.u32 $0x280, s25;
	s4 =	sor.u32 $0x280, s29;
	v22 =	vor.u32 $0x80, v10;
	v24 =	vor.u32 $0x100, v10;
	v14 =	vor.u32 v13, v14;
	v25 =	vld.idx.msk [tilespmem:v9+s16+$0x0], $0xffff;
	[tilespmem:s1+$0xC800] =	vst v15  }
0x73: {  	s24 =	sor.u32 $0x280, s22;
	v13 =	vor.u32 $0x180, v10;
	v15 =	vor.u32 $0x80, v14;
	v26 =	vor.u32 $0x100, v14;
	s1 =	sor.u32 $0x300, s25;
	[tilespmem:s12+$0xC800] =	vst v18;
	s12 =	sor.u32 $0x300, s29;
	v18 =	vld.idx.msk [tilespmem:v11+s16+$0x0], $0xffff  }
0x74: {  	s26 =	sor.u32 $0x300, s22;
	v12 =	vor.u32 $0x180, v14;
	v9 =	vor.u32 $0x200, v14;
	v11 =	vor.u32 $0x200, v10;
	v27 =	vld.idx.msk [tilespmem:v16+s16+$0x0], $0xffff;
	[tilespmem:s28+$0xC800] =	vst v19;
	s28 =	sor.u32 $0x380, s25;
	s25 =	sor.u32 $0x380, s29  }
0x75: {  	v29 =	vor.u32 $0x300, v2;
	s22 =	sor.u32 $0x380, s22;
	v19 =	vor.u32 $0x280, v14;
	v28 =	vld.idx.msk [tilespmem:v8+s16+$0x0], $0xffff;
	v8 =	vor.u32 $0x280, v10;
	[tilespmem:s13+$0xC800] =	vst v23;
	s13 =	smov.u32 s25  }
0x76: {  	s3 =	sadd.s32 $0x200, s3;
	v32 =	vor.u32 $0x80, v16;
	v30 =	vor.u32 $0x300, v10;
	v31 =	vor.u32 $0x300, v14;
	v23 =	vld.idx.msk [tilespmem:v10+s16+$0x0], $0xffff;
	[tilespmem:s8+$0xC800] =	vst v17;
	s8 =	smov.u32 s22  }
0x77: {  	v33 =	vor.u32 $0x380, v10;
	s22 =	sand.u32 $0x3C00, s3;
	v17 =	vor.u32 $0x80, v1;
	v10 =	vor.u32 $0x380, v14;
	v34 =	vld.idx.msk [tilespmem:v14+s16+$0x0], $0xffff  }
0x78: {  	s23 =	sadd.s32 $0xC800, s22;
	v35 =	vld.idx.msk [tilespmem:v21+s16+$0x0], $0xffff;
	[tilespmem:s7+$0xC800] =	vst v25;
	s7 =	sor.u32 $0x280, s11  }
0x79: {  	s29 =	sor.u32 s20, s23;
	s22 =	sor.u32 s10, s23;
	s25 =	sor.u32 s6, s23;
	v14 =	vld.idx.msk [tilespmem:v7+s16+$0x0], $0xffff;
	[tilespmem:s7+$0xC800] =	vst v18;
	v7 =	vmov v19  }
0x7a: {  	s7 =	sor.u32 s9, s23;
	[tilespmem:s25+$0x0] =	vst v27;
	v18 =	vld.idx.msk [tilespmem:v29+s16+$0x0], $0xffff  }
0x7b: {  	[tilespmem:s29+$0x0] =	vst v20;
	v19 =	vld.idx.msk [tilespmem:v32+s16+$0x0], $0xffff  }
0x7c: {  	v20 =	vor.u32 $0x380, v2;
	v2 =	vmov v16;
	v17 =	vld.idx.msk [tilespmem:v17+s16+$0x0], $0xffff;
	[tilespmem:s22+$0x0] =	vst v23  }
0x7d: {  	v21 =	vor.u32 $0x100, v2;
	v16 =	vld.idx.msk [tilespmem:v22+s16+$0x0], $0xffff;
	[tilespmem:s7+$0x0] =	vst v34  }
0x7e: {  	v22 =	vor.u32 $0x100, v1;
	v15 =	vld.idx.msk [tilespmem:v15+s16+$0x0], $0xffff;
	[tilespmem:s21+$0xC800] =	vst v28  }
0x7f: {  	v23 =	vld.idx.msk [tilespmem:v6+s16+$0x0], $0xffff;
	[tilespmem:s4+$0xC800] =	vst v14;
	s4 =	sor.u32 $0x300, s11;
	v6 =	vmov v30  }
0x80: {  	v14 =	vld.idx.msk [tilespmem:v5+s16+$0x0], $0xffff;
	[tilespmem:s4+$0xC800] =	vst v18;
	v5 =	vmov v31  }
0x81: {  	v25 =	vor.u32 $0x300, v0;
	[tilespmem:s25+$0x80] =	vst v19;
	v27 =	vld.idx.msk [tilespmem:v20+s16+$0x0], $0xffff  }
0x82: {  	[tilespmem:s29+$0x80] =	vst v17;
	v19 =	vld.idx.msk [tilespmem:v21+s16+$0x0], $0xffff  }
.Ltmp0:
0x83: {  	v17 =	vld.idx.msk [tilespmem:v22+s16+$0x0], $0xffff;
	[tilespmem:s22+$0x80] =	vst v16;
	(pc) =	sbr.rel @p2 .LBB2_3-.Ltmp0, $4  }
0x84: {  	v22 =	vor.u32 $0x180, v2;
	v18 =	vld.idx.msk [tilespmem:v24+s16+$0x0], $0xffff;
	[tilespmem:s7+$0x80] =	vst v15  }
0x85: {  	v21 =	vor.u32 $0x180, v1;
	v20 =	vld.idx.msk [tilespmem:v26+s16+$0x0], $0xffff;
	[tilespmem:s24+$0xC800] =	vst v35  }
0x86: {  	v15 =	vld.idx.msk [tilespmem:v25+s16+$0x0], $0xffff;
	[tilespmem:s1+$0xC800] =	vst v23;
	s1 =	sor.u32 $0x380, s11  }
0x87: {  	s15 =	sadd.s32 $0x40, s15;
	v16 =	vld.idx.msk [tilespmem:v4+s16+$0x0], $0xffff;
	[tilespmem:s1+$0xC800] =	vst v27;
	v4 =	vmov v33  }
0x88: {  	_ =	sdelay $0x2  }
0x89: {  	[tilespmem:s25+$0x100] =	vst v19  }
0x8a: {  	v19 =	vld.idx.msk [tilespmem:v22+s16+$0x0], $0xffff;
	[tilespmem:s22+$0x100] =	vst v18  }
0x8b: {  	v18 =	vor.u32 $0x200, v2;
	v13 =	vld.idx.msk [tilespmem:v13+s16+$0x0], $0xffff  }
0x8c: {  	[tilespmem:s7+$0x100] =	vst v20  }
0x8d: {  	[tilespmem:s29+$0x100] =	vst v17;
	v12 =	vld.idx.msk [tilespmem:v12+s16+$0x0], $0xffff  }
0x8e: {  	v17 =	vld.idx.msk [tilespmem:v21+s16+$0x0], $0xffff  }
0x8f: {  	p1 =	por !p1, !p1;
	s0 =	simm.s32 $0x1;
	v20 =	vor.u32 $0x200, v1;
	[tilespmem:s25+$0x180] =	vst v19  }
0x90: {  	s0 =	simm.s32 @!p1 $0x0;
	v18 =	vld.idx.msk [tilespmem:v18+s16+$0x0], $0xffff;
	[tilespmem:s22+$0x180] =	vst v13  }
0x91: {  	s0 =	sshll.u32 s0, $0x6;
	v13 =	vor.u32 $0x280, v2;
	v11 =	vld.idx.msk [tilespmem:v11+s16+$0x0], $0xffff  }
0x92: {  	s0 =	sadd.s32 s0, s3;
	[tilespmem:s7+$0x180] =	vst v12  }
0x93: {  	s1 =	sadd.s32 $0x30, s0;
	[tilespmem:s29+$0x180] =	vst v17;
	v9 =	vld.idx.msk [tilespmem:v9+s16+$0x0], $0xffff  }
0x94: {  	s3 =	sadd.s32 $0x10, s0;
	s4 =	sor.u32 $0x200, s1;
	v12 =	vld.idx.msk [tilespmem:v20+s16+$0x0], $0xffff  }
0x95: {  	s15 =	sor.u32 $0x200, s3;
	v17 =	vor.u32 $0x280, v1;
	[tilespmem:s4+$0xC800] =	vst v18  }
0x96: {  	s6 =	sadd.s32 $0x20, s0;
	v13 =	vld.idx.msk [tilespmem:v13+s16+$0x0], $0xffff;
	[tilespmem:s15+$0xC800] =	vst v11  }
0x97: {  	s20 =	sor.u32 $0x200, s6;
	v11 =	vor.u32 $0x300, v2;
	v8 =	vld.idx.msk [tilespmem:v8+s16+$0x0], $0xffff  }
0x98: {  	s21 =	sor.u32 $0x200, s0;
	[tilespmem:s20+$0xC800] =	vst v9  }
0x99: {  	[tilespmem:s21+$0xC800] =	vst v12;
	v7 =	vld.idx.msk [tilespmem:v7+s16+$0x0], $0xffff  }
0x9a: {  	[tilespmem:s12+$0xC800] =	vst v14;
	s22 =	sor.u32 $0x280, s1;
	v9 =	vld.idx.msk [tilespmem:v17+s16+$0x0], $0xffff  }
0x9b: {  	s23 =	sor.u32 $0x280, s3;
	v12 =	vor.u32 $0x300, v1;
	[tilespmem:s22+$0xC800] =	vst v13  }
0x9c: {  	v0 =	vor.u32 $0x380, v0;
	v11 =	vld.idx.msk [tilespmem:v11+s16+$0x0], $0xffff;
	[tilespmem:s23+$0xC800] =	vst v8  }
0x9d: {  	[tilespmem:s26+$0xC800] =	vst v15;
	s24 =	sor.u32 $0x280, s6;
	v2 =	vor.u32 $0x380, v2;
	v6 =	vld.idx.msk [tilespmem:v6+s16+$0x0], $0xffff  }
0x9e: {  	v3 =	vld.idx.msk [tilespmem:v3+s16+$0x0], $0xffff;
	s25 =	sor.u32 $0x280, s0;
	[tilespmem:s24+$0xC800] =	vst v7  }
0x9f: {  	[tilespmem:s25+$0xC800] =	vst v9;
	v5 =	vld.idx.msk [tilespmem:v5+s16+$0x0], $0xffff  }
0xa0: {  	[tilespmem:s28+$0xC800] =	vst v16;
	s9 =	sor.u32 $0x300, s1;
	v7 =	vld.idx.msk [tilespmem:v12+s16+$0x0], $0xffff  }
0xa1: {  	v0 =	vld.idx.msk [tilespmem:v0+s16+$0x0], $0xffff;
	s10 =	sor.u32 $0x300, s3;
	v1 =	vor.u32 $0x380, v1;
	[tilespmem:s9+$0xC800] =	vst v11  }
0xa2: {  	v2 =	vld.idx.msk [tilespmem:v2+s16+$0x0], $0xffff;
	[tilespmem:s10+$0xC800] =	vst v6  }
0xa3: {  	s11 =	sor.u32 $0x300, s6;
	[tilespmem:s13+$0xC800] =	vst v3;
	v4 =	vld.idx.msk [tilespmem:v4+s16+$0x0], $0xffff  }
0xa4: {  	s12 =	sor.u32 $0x300, s0;
	[tilespmem:s11+$0xC800] =	vst v5  }
0xa5: {  	[tilespmem:s12+$0xC800] =	vst v7;
	v5 =	vld.idx.msk [tilespmem:v10+s16+$0x0], $0xffff  }
0xa6: {  	s1 =	sor.u32 $0x380, s1;
	[tilespmem:s8+$0xC800] =	vst v0;
	v1 =	vld.idx.msk [tilespmem:v1+s16+$0x0], $0xffff  }
0xa7: {  	s3 =	sor.u32 $0x380, s3;
	[tilespmem:s1+$0xC800] =	vst v2  }
0xa8: {  	s13 =	smul.u32 $0x18, s30;
	[tilespmem:s3+$0xC800] =	vst v4  }
0xa9: {  	s14 =	sor.u32 $0x380, s6;
	s3 =	rddreg [dreg:$0x4]  }
0xaa: {  	s0 =	sor.u32 $0x380, s0;
	[tilespmem:s14+$0xC800] =	vst v5;
	s3 =	sadd.s32 s3, s13  }
0xab: {  	s20 =	rddreg [dreg:$0x2];
	[tilespmem:s0+$0xC800] =	vst v1;
	s15 =	sshll.u32 s3, $0x8  }
0xac: {  	s21 =	simm.s32 $0xC800;
	s22 =	rddreg [dreg:$0x8];
	s0 =	sadd.s32 s20, s15  }
0xad: {  	[hbm4b:s0+s5] =	stream.linear.scatter [tilespmem:s21], [sflag:$0x4], $0x4000, $0x38;
	[tilespmem:$0x18800] =	vst v63  }
0xae: {  	s0 =	sadd.s32 s22, s2  }
0xaf: {  	s23 =	rddreg [dreg:$0x0];
	s0 =	sshll.u32 s0, $0xB  }
0xb0: {  	s24 =	simm.s32 $0x2;
	s0 =	sadd.s32 s23, s0  }
0xb1: {  	[tilespmem:s16], [sflag:$0x1] =	stream.linear.gather [hbm4b:s0+s5], $0x4000, $0x38;
	[tilespmem:$0x18800] =	vst v63  }
0xb2: {  	_ =	swait.ge [sflag:s24], $0x4000  }
0xb3: {  	[sflag:s24] =	ssyncset.done $0x0  }
0xb4: {  	s25 =	simm.s32 $0x0;
	s0 =	simm.s32 @!p0 $0x5;
	[sflag:s24] =	ssyncadd.s32 $0xFFFFC000  }
0xb5: {  	s26 =	sand.u32 $0x40, s25;
	_ =	swait.ge @!p0 [sflag:s0], $0x4000  }
0xb6: {  	s6 =	sand.u32 $0x780, s25;
	s7 =	sor.u32 $0x30, s26;
	[sflag:s0] =	ssyncset.done @!p0 $0x0  }
0xb7: {  	s9 =	sor.u32 s7, s6;
	[sflag:s0] =	ssyncadd.s32 @!p0 $0xFFFFC000  }
0xb8: {  	v0 =	vld [tilespmem:s9+$0x0]  }
0xb9: {  	s10 =	sor.u32 $0x10, s26;
	v1 =	vld [tilespmem:s25+$0x0]  }
0xba: {  	s11 =	sor.u32 $0x20, s26;
	s12 =	sor.u32 s10, s6  }
0xbb: {  	s4 =	sor.u32 s11, s6;
	v2 =	vld [tilespmem:s12+$0x0]  }
0xbc: {  	v3 =	vld [tilespmem:s4+$0x0]  }
0xbd: {  	v4 =	vshll.u32 v0, $0x3  }
0xbe: {  	v5 =	vshll.u32 v1, $0x3;
	v0 =	vand.u32 $0x7F, v0;
	v4 =	vand.u32 $0xFFFFFC00, v4  }
0xbf: {  	v1 =	vand.u32 $0x7F, v1;
	v6 =	vand.u32 $0xFFFFFC00, v5;
	v5 =	vor.u32 v0, v4  }
0xc0: {  	v0 =	vor.u32 v1, v6;
	v1 =	vshll.u32 v2, $0x3  }
0xc1: {  	v4 =	vshll.u32 v3, $0x3;
	v2 =	vand.u32 $0x7F, v2;
	v1 =	vand.u32 $0xFFFFFC00, v1  }
0xc2: {  	v6 =	vand.u32 $0xFFFFFC00, v4;
	v4 =	vor.u32 v2, v1;
	v1 =	vand.u32 $0x7F, v3  }
0xc3: {  	v3 =	vor.u32 v1, v6  }
0xc4: {  	v1 =	vld.idx.msk [tilespmem:v5+s17+$0x0], $0xffff  }
0xc5: {  	v6 =	vor.u32 $0x80, v5;
	v2 =	vld.idx.msk [tilespmem:v0+s17+$0x0], $0xffff  }
0xc6: {  	s1 =	sand.u32 $0x3C00, s25;
	v7 =	vor.u32 $0x80, v0  }
0xc7: {  	s13 =	sadd.s32 $0x10800, s1;
	v8 =	vld.idx.msk [tilespmem:v4+s17+$0x0], $0xffff  }
0xc8: {  	s6 =	sor.u32 s7, s13;
	v9 =	vor.u32 $0x80, v4;
	v10 =	vld.idx.msk [tilespmem:v3+s17+$0x0], $0xffff  }
0xc9: {  	s1 =	sor.u32 s26, s13;
	v11 =	vor.u32 $0x80, v3;
	[tilespmem:s6+$0x0] =	vst v1  }
0xca: {  	[tilespmem:s1+$0x0] =	vst v2;
	v1 =	vld.idx.msk [tilespmem:v6+s17+$0x0], $0xffff  }
0xcb: {  	s14 =	sor.u32 s10, s13;
	v2 =	vld.idx.msk [tilespmem:v7+s17+$0x0], $0xffff;
	v6 =	vor.u32 $0x100, v5  }
0xcc: {  	s15 =	sor.u32 s11, s13;
	v7 =	vor.u32 $0x100, v0;
	[tilespmem:s14+$0x0] =	vst v8  }
0xcd: {  	v8 =	vld.idx.msk [tilespmem:v9+s17+$0x0], $0xffff;
	[tilespmem:s15+$0x0] =	vst v10  }
0xce: {  	v9 =	vor.u32 $0x100, v4;
	v10 =	vld.idx.msk [tilespmem:v11+s17+$0x0], $0xffff  }
0xcf: {  	v11 =	vor.u32 $0x100, v3;
	[tilespmem:s6+$0x80] =	vst v1  }
0xd0: {  	[tilespmem:s1+$0x80] =	vst v2;
	v1 =	vld.idx.msk [tilespmem:v6+s17+$0x0], $0xffff  }
0xd1: {  	v2 =	vld.idx.msk [tilespmem:v7+s17+$0x0], $0xffff;
	v6 =	vor.u32 $0x180, v5  }
0xd2: {  	v7 =	vor.u32 $0x180, v0;
	[tilespmem:s14+$0x80] =	vst v8  }
0xd3: {  	v8 =	vld.idx.msk [tilespmem:v9+s17+$0x0], $0xffff;
	[tilespmem:s15+$0x80] =	vst v10  }
0xd4: {  	s0 =	simm.s32 $0x40;
	v9 =	vor.u32 $0x180, v4;
	v10 =	vld.idx.msk [tilespmem:v11+s17+$0x0], $0xffff  }
0xd5: {  	s22 =	sand.u32 $0x40, s0;
	v11 =	vld [tilespmem:s0+$0x0];
	[tilespmem:s6+$0x100] =	vst v1  }
0xd6: {  	s20 =	sand.u32 $0x780, s0;
	s11 =	sor.u32 $0x30, s22;
	[tilespmem:s1+$0x100] =	vst v2;
	v1 =	vld.idx.msk [tilespmem:v6+s17+$0x0], $0xffff  }
0xd7: {  	s10 =	sor.u32 s11, s20;
	v2 =	vor.u32 $0x180, v3;
	v6 =	vld.idx.msk [tilespmem:v7+s17+$0x0], $0xffff  }
0xd8: {  	s9 =	sor.u32 $0x10, s22;
	v7 =	vor.u32 $0x200, v5;
	[tilespmem:s14+$0x100] =	vst v8;
	v8 =	vld [tilespmem:s10+$0x0]  }
0xd9: {  	s21 =	sor.u32 $0x20, s22;
	s23 =	sor.u32 s9, s20;
	v9 =	vld.idx.msk [tilespmem:v9+s17+$0x0], $0xffff  }
0xda: {  	s4 =	sor.u32 s21, s20;
	v13 =	vld [tilespmem:s23+$0x0];
	v12 =	vor.u32 $0x200, v4;
	v14 =	vshll.u32 v11, $0x3  }
0xdb: {  	v15 =	vld [tilespmem:s4+$0x0];
	[tilespmem:s15+$0x100] =	vst v10;
	v10 =	vor.u32 $0x200, v0;
	v11 =	vand.u32 $0x7F, v11;
	v14 =	vand.u32 $0xFFFFFC00, v14  }
0xdc: {  	p1 =	por $0x0, $0x0;
	s4 =	simm.s32 $0x1;
	v16 =	vld.idx.msk [tilespmem:v2+s17+$0x0], $0xffff;
	[tilespmem:s6+$0x180] =	vst v1;
	v1 =	vor.u32 v11, v14  }
0xdd: {  	s4 =	simm.s32 @!p1 $0x0;
	v11 =	vor.u32 $0x200, v3;
	v7 =	vld.idx.msk [tilespmem:v7+s17+$0x0], $0xffff;
	v2 =	vshll.u32 v8, $0x3  }
0xde: {  	s4 =	sshll.u32 s4, $0x6;
	v8 =	vand.u32 $0x7F, v8;
	[tilespmem:s14+$0x180] =	vst v9;
	v2 =	vand.u32 $0xFFFFFC00, v2;
	v9 =	vor.u32 $0x280, v5  }
0xdf: {  	v14 =	vor.u32 $0x280, v4;
	[tilespmem:s1+$0x180] =	vst v6;
	s6 =	sadd.s32 $0x0, s4;
	v6 =	vld.idx.msk [tilespmem:v12+s17+$0x0], $0xffff;
	v12 =	vshll.u32 v13, $0x3;
	v2 =	vor.u32 v8, v2  }
0xe0: {  	s1 =	sadd.s32 $0x30, s6;
	v8 =	vld.idx.msk [tilespmem:v10+s17+$0x0], $0xffff;
	v10 =	vshll.u32 v15, $0x3;
	v13 =	vand.u32 $0x7F, v13;
	v12 =	vand.u32 $0xFFFFFC00, v12  }
0xe1: {  	s24 =	sor.u32 $0x200, s1;
	v10 =	vand.u32 $0xFFFFFC00, v10;
	[tilespmem:s15+$0x180] =	vst v16;
	v17 =	vld.idx.msk [tilespmem:v1+s17+$0x0], $0xffff;
	v21 =	vor.u32 v13, v12;
	v12 =	vand.u32 $0x7F, v15  }
0xe2: {  	s8 =	sadd.s32 $0x10, s6;
	v11 =	vld.idx.msk [tilespmem:v11+s17+$0x0], $0xffff;
	v10 =	vor.u32 v12, v10;
	[tilespmem:s24+$0x10800] =	vst v7  }
0xe3: {  	s25 =	sor.u32 $0x200, s8;
	v7 =	vor.u32 $0x280, v0;
	v9 =	vld.idx.msk [tilespmem:v9+s17+$0x0], $0xffff  }
0xe4: {  	s3 =	simm.s32 $0x200;
	s4 =	sor.u32 $0x200, s6;
	v12 =	vor.u32 $0x280, v3;
	v13 =	vld.idx.msk [tilespmem:v2+s17+$0x0], $0xffff;
	[tilespmem:s25+$0x10800] =	vst v6  }
0xe5: {  	s13 =	sadd.s32 $0x20, s6;
	s14 =	sand.u32 $0x3C00, s3;
	[tilespmem:s4+$0x10800] =	vst v8;
	v8 =	vor.u32 $0x80, v1;
	v6 =	vld.idx.msk [tilespmem:v14+s17+$0x0], $0xffff  }
0xe6: {  	s26 =	sor.u32 $0x200, s13;
	s4 =	sadd.s32 $0x10800, s14;
	v14 =	vor.u32 $0x300, v5;
	v15 =	vld.idx.msk [tilespmem:v21+s17+$0x0], $0xffff  }
0xe7: {  	v16 =	vor.u32 $0x80, v2;
	s29 =	sor.u32 s22, s4;
	[tilespmem:s26+$0x10800] =	vst v11;
	v18 =	vld.idx.msk [tilespmem:v10+s17+$0x0], $0xffff  }
0xe8: {  	s15 =	sor.u32 $0x280, s1;
	v19 =	vor.u32 $0x80, v21;
	[tilespmem:s29+$0x0] =	vst v17;
	v7 =	vld.idx.msk [tilespmem:v7+s17+$0x0], $0xffff  }
0xe9: {  	s25 =	sor.u32 s11, s4;
	v11 =	vor.u32 $0x80, v10;
	v12 =	vld.idx.msk [tilespmem:v12+s17+$0x0], $0xffff;
	[tilespmem:s15+$0x10800] =	vst v9  }
0xea: {  	s20 =	sor.u32 $0x280, s8;
	v9 =	vor.u32 $0x300, v4;
	[tilespmem:s25+$0x0] =	vst v13;
	v8 =	vld.idx.msk [tilespmem:v8+s17+$0x0], $0xffff  }
0xeb: {  	s22 =	sor.u32 s9, s4;
	v13 =	vld.idx.msk [tilespmem:v14+s17+$0x0], $0xffff;
	v14 =	vor.u32 $0x300, v3;
	[tilespmem:s20+$0x10800] =	vst v6  }
0xec: {  	s7 =	sor.u32 s21, s4;
	v5 =	vor.u32 $0x380, v5;
	v16 =	vld.idx.msk [tilespmem:v16+s17+$0x0], $0xffff;
	[tilespmem:s22+$0x0] =	vst v15  }
0xed: {  	s21 =	sor.u32 $0x280, s13;
	v17 =	vor.u32 $0x100, v2;
	v15 =	vld.idx.msk [tilespmem:v19+s17+$0x0], $0xffff;
	[tilespmem:s7+$0x0] =	vst v18  }
0xee: {  	v18 =	vor.u32 $0x100, v1;
	[tilespmem:s21+$0x10800] =	vst v12;
	v20 =	vld.idx.msk [tilespmem:v11+s17+$0x0], $0xffff  }
0xef: {  	s23 =	sor.u32 $0x300, s1;
	v6 =	vor.u32 $0x100, v21;
	v22 =	vld.idx.msk [tilespmem:v9+s17+$0x0], $0xffff;
	[tilespmem:s29+$0x80] =	vst v8  }
0xf0: {  	v23 =	vor.u32 $0x100, v10;
	v14 =	vld.idx.msk [tilespmem:v14+s17+$0x0], $0xffff;
	[tilespmem:s23+$0x10800] =	vst v13  }
0xf1: {  	[tilespmem:s25+$0x80] =	vst v16;
	v16 =	vor.u32 $0x300, v0;
	v24 =	vld.idx.msk [tilespmem:v5+s17+$0x0], $0xffff  }
0xf2: {  	v25 =	vor.u32 $0x380, v4;
	v19 =	vld.idx.msk [tilespmem:v17+s17+$0x0], $0xffff;
	[tilespmem:s22+$0x80] =	vst v15  }
0xf3: {  	s26 =	sor.u32 $0x300, s8;
	v4 =	vor.u32 $0x380, v21;
	v17 =	vld.idx.msk [tilespmem:v18+s17+$0x0], $0xffff;
	[tilespmem:s7+$0x80] =	vst v20  }
0xf4: {  	s24 =	sor.u32 $0x280, s6;
	v11 =	vor.u32 $0x200, v21;
	v8 =	vor.u32 $0x280, v21;
	v18 =	vld.idx.msk [tilespmem:v6+s17+$0x0], $0xffff;
	[tilespmem:s26+$0x10800] =	vst v22;
	v22 =	vor.u32 $0x180, v2  }
0xf5: {  	s12 =	sor.u32 $0x300, s13;
	s28 =	sor.u32 $0x380, s8;
	[tilespmem:s24+$0x10800] =	vst v7;
	v13 =	vor.u32 $0x180, v21;
	v6 =	vor.u32 $0x300, v21;
	v21 =	vor.u32 $0x180, v1;
	v20 =	vld.idx.msk [tilespmem:v23+s17+$0x0], $0xffff  }
0xf6: {  	s1 =	sor.u32 $0x380, s1;
	s14 =	simm.s32 $0x4;
	s13 =	sor.u32 $0x380, s13;
	v3 =	vor.u32 $0x380, v3;
	v12 =	vor.u32 $0x180, v10;
	v7 =	vor.u32 $0x280, v10;
	v15 =	vld.idx.msk [tilespmem:v16+s17+$0x0], $0xffff  }
0xf7: {  	s8 =	sor.u32 $0x380, s6;
	s15 =	simm.s32 $0x80;
	v9 =	vor.u32 $0x200, v10;
	v5 =	vor.u32 $0x300, v10;
	v10 =	vor.u32 $0x380, v10;
	s26 =	sor.u32 $0x300, s6;
	v16 =	vld.idx.msk [tilespmem:v25+s17+$0x0], $0xffff;
	[tilespmem:s1+$0x10800] =	vst v24  }
.LBB2_5:
0xf8: {  	v23 =	vld [tilespmem:s15+$0x0];
	[tilespmem:s25+$0x100] =	vst v19;
	s0 =	sadd.s32 $0x40, s0  }
0xf9: {  	s14 =	sadd.s32 $0x4, s14;
	s20 =	sand.u32 $0x40, s0;
	[tilespmem:s29+$0x100] =	vst v17;
	v17 =	vld.idx.msk [tilespmem:v22+s17+$0x0], $0xffff  }
0xfa: {  	s1 =	sand.u32 $0x780, s0;
	p2 =	slt.u32 s14, $0x7C;
	s6 =	sor.u32 $0x30, s20;
	v19 =	vld.idx.msk [tilespmem:v21+s17+$0x0], $0xffff;
	[tilespmem:s22+$0x100] =	vst v18  }
0xfb: {  	s10 =	sor.u32 $0x10, s20;
	s9 =	sor.u32 $0x20, s20;
	v18 =	vor.u32 $0x200, v2;
	s4 =	sor.u32 s6, s1;
	v13 =	vld.idx.msk [tilespmem:v13+s17+$0x0], $0xffff;
	[tilespmem:s7+$0x100] =	vst v20  }
0xfc: {  	v21 =	vor.u32 $0x200, v1;
	s11 =	sor.u32 s10, s1;
	s1 =	sor.u32 s9, s1;
	v20 =	vld [tilespmem:s4+$0x0];
	[tilespmem:s12+$0x10800] =	vst v14  }
0xfd: {  	v14 =	vld [tilespmem:s11+$0x0];
	[tilespmem:s26+$0x10800] =	vst v15  }
0xfe: {  	v15 =	vshll.u32 v23, $0x3;
	v22 =	vld [tilespmem:s1+$0x0];
	[tilespmem:s28+$0x10800] =	vst v16  }
0xff: {  	v16 =	vand.u32 $0x7F, v23;
	v15 =	vand.u32 $0xFFFFFC00, v15;
	v12 =	vld.idx.msk [tilespmem:v12+s17+$0x0], $0xffff;
	[tilespmem:s25+$0x180] =	vst v17;
	v17 =	vor.u32 $0x380, v0;
	v0 =	vmovc v1  }
0x100: {  	p1 =	por !p1, !p1;
	s1 =	simm.s32 $0x1;
	v1 =	vor.u32 v16, v15;
	[tilespmem:s29+$0x180] =	vst v19;
	v15 =	vld.idx.msk [tilespmem:v18+s17+$0x0], $0xffff  }
0x101: {  	s1 =	simm.s32 @!p1 $0x0;
	v16 =	vshll.u32 v20, $0x3;
	v18 =	vld.idx.msk [tilespmem:v21+s17+$0x0], $0xffff;
	[tilespmem:s22+$0x180] =	vst v13  }
0x102: {  	s1 =	sshll.u32 s1, $0x6;
	v13 =	vand.u32 $0x7F, v20;
	v16 =	vand.u32 $0xFFFFFC00, v16;
	v19 =	vld.idx.msk [tilespmem:v11+s17+$0x0], $0xffff;
	v11 =	vor.u32 $0x280, v2  }
0x103: {  	s22 =	sadd.s32 s1, s3;
	v20 =	vshll.u32 v14, $0x3;
	v21 =	vshll.u32 v22, $0x3;
	v16 =	vor.u32 v13, v16;
	v23 =	vld.idx.msk [tilespmem:v3+s17+$0x0], $0xffff;
	v3 =	vmovc v10  }
0x104: {  	s23 =	sadd.s32 $0x10, s22;
	s25 =	sadd.s32 $0x20, s22;
	s11 =	sadd.s32 $0x30, s22;
	v10 =	vand.u32 $0x7F, v14;
	v13 =	vand.u32 $0xFFFFFC00, v20;
	v14 =	vand.u32 $0xFFFFFC00, v21;
	v17 =	vld.idx.msk [tilespmem:v17+s17+$0x0], $0xffff  }
0x105: {  	s28 =	sor.u32 $0x200, s23;
	s1 =	sor.u32 $0x200, s11;
	v10 =	vor.u32 v10, v13;
	v13 =	vand.u32 $0x7F, v22;
	v21 =	vor.u32 $0x280, v0;
	v20 =	vld.idx.msk [tilespmem:v1+s17+$0x0], $0xffff;
	[tilespmem:s7+$0x180] =	vst v12;
	s7 =	sor.u32 $0x200, s25  }
0x106: {  	s12 =	sor.u32 $0x200, s22;
	s21 =	sor.u32 $0x280, s23;
	s4 =	sor.u32 $0x280, s25;
	v22 =	vor.u32 $0x80, v10;
	v24 =	vor.u32 $0x100, v10;
	v14 =	vor.u32 v13, v14;
	v25 =	vld.idx.msk [tilespmem:v9+s17+$0x0], $0xffff;
	[tilespmem:s1+$0x10800] =	vst v15  }
0x107: {  	s24 =	sor.u32 $0x280, s22;
	v13 =	vor.u32 $0x180, v10;
	v15 =	vor.u32 $0x80, v14;
	v26 =	vor.u32 $0x100, v14;
	s1 =	sor.u32 $0x300, s23;
	[tilespmem:s12+$0x10800] =	vst v18;
	s12 =	sor.u32 $0x300, s25;
	v18 =	vld.idx.msk [tilespmem:v11+s17+$0x0], $0xffff  }
0x108: {  	s26 =	sor.u32 $0x300, s22;
	v12 =	vor.u32 $0x180, v14;
	v9 =	vor.u32 $0x200, v14;
	v11 =	vor.u32 $0x200, v10;
	v27 =	vld.idx.msk [tilespmem:v16+s17+$0x0], $0xffff;
	[tilespmem:s28+$0x10800] =	vst v19;
	s28 =	sor.u32 $0x380, s23;
	s23 =	sor.u32 $0x380, s25  }
0x109: {  	v29 =	vor.u32 $0x300, v2;
	s22 =	sor.u32 $0x380, s22;
	v19 =	vor.u32 $0x280, v14;
	v28 =	vld.idx.msk [tilespmem:v8+s17+$0x0], $0xffff;
	v8 =	vor.u32 $0x280, v10;
	[tilespmem:s13+$0x10800] =	vst v23;
	s13 =	smov.u32 s23  }
0x10a: {  	s3 =	sadd.s32 $0x200, s3;
	v32 =	vor.u32 $0x80, v16;
	v30 =	vor.u32 $0x300, v10;
	v31 =	vor.u32 $0x300, v14;
	v23 =	vld.idx.msk [tilespmem:v10+s17+$0x0], $0xffff;
	[tilespmem:s8+$0x10800] =	vst v17;
	s8 =	smov.u32 s22  }
0x10b: {  	v33 =	vor.u32 $0x380, v10;
	s22 =	sand.u32 $0x3C00, s3;
	v17 =	vor.u32 $0x80, v1;
	v10 =	vor.u32 $0x380, v14;
	v34 =	vld.idx.msk [tilespmem:v14+s17+$0x0], $0xffff  }
0x10c: {  	s23 =	sadd.s32 $0x10800, s22;
	v35 =	vld.idx.msk [tilespmem:v21+s17+$0x0], $0xffff;
	[tilespmem:s7+$0x10800] =	vst v25;
	s7 =	sor.u32 $0x280, s11  }
0x10d: {  	s29 =	sor.u32 s20, s23;
	s22 =	sor.u32 s10, s23;
	s25 =	sor.u32 s6, s23;
	v14 =	vld.idx.msk [tilespmem:v7+s17+$0x0], $0xffff;
	[tilespmem:s7+$0x10800] =	vst v18;
	v7 =	vmov v19  }
0x10e: {  	s7 =	sor.u32 s9, s23;
	[tilespmem:s25+$0x0] =	vst v27;
	v18 =	vld.idx.msk [tilespmem:v29+s17+$0x0], $0xffff  }
0x10f: {  	[tilespmem:s29+$0x0] =	vst v20;
	v19 =	vld.idx.msk [tilespmem:v32+s17+$0x0], $0xffff  }
0x110: {  	v20 =	vor.u32 $0x380, v2;
	v2 =	vmov v16;
	v17 =	vld.idx.msk [tilespmem:v17+s17+$0x0], $0xffff;
	[tilespmem:s22+$0x0] =	vst v23  }
0x111: {  	v21 =	vor.u32 $0x100, v2;
	v16 =	vld.idx.msk [tilespmem:v22+s17+$0x0], $0xffff;
	[tilespmem:s7+$0x0] =	vst v34  }
0x112: {  	v22 =	vor.u32 $0x100, v1;
	v15 =	vld.idx.msk [tilespmem:v15+s17+$0x0], $0xffff;
	[tilespmem:s21+$0x10800] =	vst v28  }
0x113: {  	v23 =	vld.idx.msk [tilespmem:v6+s17+$0x0], $0xffff;
	[tilespmem:s4+$0x10800] =	vst v14;
	s4 =	sor.u32 $0x300, s11;
	v6 =	vmov v30  }
0x114: {  	v14 =	vld.idx.msk [tilespmem:v5+s17+$0x0], $0xffff;
	[tilespmem:s4+$0x10800] =	vst v18;
	v5 =	vmov v31  }
0x115: {  	v25 =	vor.u32 $0x300, v0;
	[tilespmem:s25+$0x80] =	vst v19;
	v27 =	vld.idx.msk [tilespmem:v20+s17+$0x0], $0xffff  }
0x116: {  	[tilespmem:s29+$0x80] =	vst v17;
	v19 =	vld.idx.msk [tilespmem:v21+s17+$0x0], $0xffff  }
.Ltmp1:
0x117: {  	v17 =	vld.idx.msk [tilespmem:v22+s17+$0x0], $0xffff;
	[tilespmem:s22+$0x80] =	vst v16;
	(pc) =	sbr.rel @p2 .LBB2_5-.Ltmp1, $4  }
0x118: {  	v22 =	vor.u32 $0x180, v2;
	v18 =	vld.idx.msk [tilespmem:v24+s17+$0x0], $0xffff;
	[tilespmem:s7+$0x80] =	vst v15  }
0x119: {  	v21 =	vor.u32 $0x180, v1;
	v20 =	vld.idx.msk [tilespmem:v26+s17+$0x0], $0xffff;
	[tilespmem:s24+$0x10800] =	vst v35  }
0x11a: {  	v15 =	vld.idx.msk [tilespmem:v25+s17+$0x0], $0xffff;
	[tilespmem:s1+$0x10800] =	vst v23;
	s1 =	sor.u32 $0x380, s11  }
0x11b: {  	s15 =	sadd.s32 $0x40, s15;
	v16 =	vld.idx.msk [tilespmem:v4+s17+$0x0], $0xffff;
	[tilespmem:s1+$0x10800] =	vst v27;
	v4 =	vmov v33  }
0x11c: {  	_ =	sdelay $0x2  }
0x11d: {  	[tilespmem:s25+$0x100] =	vst v19  }
0x11e: {  	v19 =	vld.idx.msk [tilespmem:v22+s17+$0x0], $0xffff;
	[tilespmem:s22+$0x100] =	vst v18  }
0x11f: {  	v53 =	vor.u32 $0x200, v2;
	v13 =	vld.idx.msk [tilespmem:v13+s17+$0x0], $0xffff;
	_ =	sdelay $0x1  }
0x120: {  	[tilespmem:s7+$0x100] =	vst v20  }
0x121: {  	[tilespmem:s29+$0x100] =	vst v17;
	v12 =	vld.idx.msk [tilespmem:v12+s17+$0x0], $0xffff  }
0x122: {  	p1 =	por !p1, !p1;
	s0 =	simm.s32 $0x1;
	v17 =	vld.idx.msk [tilespmem:v21+s17+$0x0], $0xffff;
	[tilespmem:s25+$0x180] =	vst v19  }
0x123: {  	v54 =	vor.u32 $0x200, v1;
	s0 =	simm.s32 @!p1 $0x0;
	v18 =	vld.idx.msk [tilespmem:v53+s17+$0x0], $0xffff;
	[tilespmem:s22+$0x180] =	vst v13  }
0x124: {  	v55 =	vor.u32 $0x280, v2;
	s0 =	sshll.u32 s0, $0x6;
	v11 =	vld.idx.msk [tilespmem:v11+s17+$0x0], $0xffff  }
0x125: {  	s0 =	sadd.s32 s0, s3  }
0x126: {  	s1 =	sadd.s32 $0x30, s0;
	[tilespmem:s7+$0x180] =	vst v12  }
0x127: {  	s3 =	sadd.s32 $0x10, s0;
	s4 =	sor.u32 $0x200, s1;
	[tilespmem:s29+$0x180] =	vst v17;
	v9 =	vld.idx.msk [tilespmem:v9+s17+$0x0], $0xffff  }
0x128: {  	s9 =	sor.u32 $0x200, s3;
	v56 =	vld.idx.msk [tilespmem:v54+s17+$0x0], $0xffff;
	[tilespmem:s4+$0x10800] =	vst v18  }
0x129: {  	v57 =	vor.u32 $0x280, v1;
	v13 =	vld.idx.msk [tilespmem:v55+s17+$0x0], $0xffff;
	[tilespmem:s9+$0x10800] =	vst v11  }
0x12a: {  	v58 =	vor.u32 $0x300, v2;
	s6 =	sadd.s32 $0x20, s0;
	v8 =	vld.idx.msk [tilespmem:v8+s17+$0x0], $0xffff  }
0x12b: {  	[tilespmem:s12+$0x10800] =	vst v14;
	s10 =	sor.u32 $0x200, s6  }
0x12c: {  	s11 =	sor.u32 $0x200, s0;
	[tilespmem:s10+$0x10800] =	vst v9  }
0x12d: {  	v0 =	vor.u32 $0x380, v0;
	s12 =	sor.u32 $0x280, s1;
	[tilespmem:s11+$0x10800] =	vst v56;
	v7 =	vld.idx.msk [tilespmem:v7+s17+$0x0], $0xffff  }
0x12e: {  	s14 =	sor.u32 $0x280, s3;
	v59 =	vld.idx.msk [tilespmem:v57+s17+$0x0], $0xffff;
	[tilespmem:s12+$0x10800] =	vst v13  }
0x12f: {  	v60 =	vor.u32 $0x300, v1;
	v11 =	vld.idx.msk [tilespmem:v58+s17+$0x0], $0xffff;
	[tilespmem:s14+$0x10800] =	vst v8  }
0x130: {  	v61 =	vor.u32 $0x380, v2;
	[tilespmem:s26+$0x10800] =	vst v15;
	v6 =	vld.idx.msk [tilespmem:v6+s17+$0x0], $0xffff  }
0x131: {  	v3 =	vld.idx.msk [tilespmem:v3+s17+$0x0], $0xffff;
	[tilespmem:s28+$0x10800] =	vst v16;
	s15 =	sor.u32 $0x280, s6  }
0x132: {  	s20 =	sor.u32 $0x280, s0;
	v0 =	vld.idx.msk [tilespmem:v0+s17+$0x0], $0xffff;
	[tilespmem:s15+$0x10800] =	vst v7  }
0x133: {  	s21 =	sor.u32 $0x300, s1;
	[tilespmem:s20+$0x10800] =	vst v59;
	v5 =	vld.idx.msk [tilespmem:v5+s17+$0x0], $0xffff  }
0x134: {  	s22 =	sor.u32 $0x300, s3;
	v62 =	vld.idx.msk [tilespmem:v60+s17+$0x0], $0xffff;
	[tilespmem:s21+$0x10800] =	vst v11  }
0x135: {  	v63 =	vor.u32 $0x380, v1;
	v2 =	vld.idx.msk [tilespmem:v61+s17+$0x0], $0xffff;
	[tilespmem:s22+$0x10800] =	vst v6  }
0x136: {  	[tilespmem:s13+$0x10800] =	vst v3;
	v4 =	vld.idx.msk [tilespmem:v4+s17+$0x0], $0xffff  }
0x137: {  	s23 =	sor.u32 $0x300, s6;
	[tilespmem:s8+$0x10800] =	vst v0  }
0x138: {  	s24 =	sor.u32 $0x300, s0;
	[tilespmem:s23+$0x10800] =	vst v5  }
0x139: {  	s1 =	sor.u32 $0x380, s1;
	[tilespmem:s24+$0x10800] =	vst v62;
	v5 =	vld.idx.msk [tilespmem:v10+s17+$0x0], $0xffff  }
0x13a: {  	s3 =	sor.u32 $0x380, s3;
	v1 =	vld.idx.msk [tilespmem:v63+s17+$0x0], $0xffff;
	[tilespmem:s1+$0x10800] =	vst v2  }
0x13b: {  	p1 =	sne.s32 s30, $0x14;
	[tilespmem:s3+$0x10800] =	vst v4  }
.Ltmp2:
0x13c: {  	s3 =	rddreg [dreg:$0x9];
	(pc) =	sbr.rel @p1 .LBB2_8-.Ltmp2, $4  }
0x13d: {  	s25 =	sor.u32 $0x380, s6;
	s3 =	sadd.s32 s3, s2  }
0x13e: {  	s0 =	sor.u32 $0x380, s0;
	s28 =	rddreg [dreg:$0x2];
	[tilespmem:s25+$0x10800] =	vst v5;
	s26 =	sshll.u32 s3, $0xB  }
0x13f: {  	s29 =	simm.s32 $0x10800;
	[tilespmem:s0+$0x10800] =	vst v1;
	s0 =	sadd.s32 s28, s26  }
0x140: {  	[hbm4b:s0+s5] =	stream.linear.scatter [tilespmem:s29], [sflag:$0x5], $0x4000, $0x38;
	[tilespmem:$0x18800] =	vst v63  }
.Ltmp3:
0x141: {  	(pc) =	sbr.rel .LBB2_9-.Ltmp3, $4  }
0x142: {  	s0 =	simm.s32 $0x3  }
0x143: {  	_ =	swait.ge [sflag:s0], $0x4000  }
0x144: {  	[sflag:s0] =	ssyncset.done $0x0  }
0x145: {  	[sflag:s0] =	ssyncadd.s32 $0xFFFFC000  }
.LBB2_8:
0x146: {  	s0 =	rddreg [dreg:$0xa]  }
0x147: {  	s0 =	sadd.s32 s0, s2  }
0x148: {  	s1 =	rddreg [dreg:$0x0];
	s0 =	sshll.u32 s0, $0xB  }
.Ltmp4:
0x149: {  	s29 =	simm.s32 $0x3;
	s0 =	sadd.s32 s1, s0;
	(pc) =	sbr.rel @p0 .LBB2_10-.Ltmp4, $4  }
0x14a: {  	[tilespmem:s17], [sflag:$0x2] =	stream.linear.gather [hbm4b:s0+s5], $0x4000, $0x38;
	[tilespmem:$0x18800] =	vst v63  }
0x14b: {  	_ =	swait.ge [sflag:s29], $0x4000  }
0x14c: {  	[sflag:s29] =	ssyncset.done $0x0  }
0x14d: {  	[sflag:s29] =	ssyncadd.s32 $0xFFFFC000  }
.LBB2_9:
0x14e: {  	s0 =	simm.s32 $0x6  }
0x14f: {  	_ =	swait.ge [sflag:s0], $0x4000  }
0x150: {  	[sflag:s0] =	ssyncset.done $0x0  }
0x151: {  	[sflag:s0] =	ssyncadd.s32 $0xFFFFC000  }
.LBB2_10:
0x152: {  	s0 =	simm.s32 $0x0  }
0x153: {  	s1 =	sand.u32 $0x40, s0  }
0x154: {  	s2 =	sand.u32 $0x780, s0;
	s3 =	sor.u32 $0x30, s1  }
0x155: {  	s4 =	sor.u32 s3, s2  }
0x156: {  	v0 =	vld [tilespmem:s4+$0x0]  }
0x157: {  	v1 =	vld [tilespmem:s0+$0x0];
	s21 =	sor.u32 $0x10, s1  }
0x158: {  	s6 =	sor.u32 $0x20, s1;
	s7 =	sor.u32 s21, s2  }
0x159: {  	s2 =	sor.u32 s6, s2;
	v2 =	vld [tilespmem:s7+$0x0]  }
0x15a: {  	v3 =	vld [tilespmem:s2+$0x0]  }
0x15b: {  	v4 =	vshll.u32 v0, $0x3  }
0x15c: {  	v5 =	vshll.u32 v1, $0x3;
	v0 =	vand.u32 $0x7F, v0;
	v4 =	vand.u32 $0xFFFFFC00, v4  }
0x15d: {  	v1 =	vand.u32 $0x7F, v1;
	v6 =	vand.u32 $0xFFFFFC00, v5;
	v5 =	vor.u32 v0, v4  }
0x15e: {  	v0 =	vor.u32 v1, v6;
	v1 =	vshll.u32 v2, $0x3  }
0x15f: {  	v4 =	vshll.u32 v3, $0x3;
	v2 =	vand.u32 $0x7F, v2;
	v1 =	vand.u32 $0xFFFFFC00, v1  }
0x160: {  	v6 =	vand.u32 $0xFFFFFC00, v4;
	v4 =	vor.u32 v2, v1;
	v1 =	vand.u32 $0x7F, v3  }
0x161: {  	v3 =	vor.u32 v1, v6  }
0x162: {  	v1 =	vld.idx.msk [tilespmem:v5+s18+$0x0], $0xffff  }
0x163: {  	v6 =	vor.u32 $0x80, v5;
	v2 =	vld.idx.msk [tilespmem:v0+s18+$0x0], $0xffff  }
0x164: {  	s0 =	sand.u32 $0x3C00, s0;
	v7 =	vor.u32 $0x80, v0  }
0x165: {  	s0 =	sadd.s32 $0x14800, s0;
	v8 =	vld.idx.msk [tilespmem:v4+s18+$0x0], $0xffff  }
0x166: {  	s3 =	sor.u32 s3, s0;
	v9 =	vor.u32 $0x80, v4;
	v10 =	vld.idx.msk [tilespmem:v3+s18+$0x0], $0xffff  }
0x167: {  	s1 =	sor.u32 s1, s0;
	v11 =	vor.u32 $0x80, v3;
	[tilespmem:s3+$0x0] =	vst v1  }
0x168: {  	[tilespmem:s1+$0x0] =	vst v2;
	v1 =	vld.idx.msk [tilespmem:v6+s18+$0x0], $0xffff  }
0x169: {  	s4 =	sor.u32 s21, s0;
	v2 =	vld.idx.msk [tilespmem:v7+s18+$0x0], $0xffff;
	v6 =	vor.u32 $0x100, v5  }
0x16a: {  	s22 =	sor.u32 s6, s0;
	v7 =	vor.u32 $0x100, v0;
	[tilespmem:s4+$0x0] =	vst v8  }
0x16b: {  	v8 =	vld.idx.msk [tilespmem:v9+s18+$0x0], $0xffff;
	[tilespmem:s22+$0x0] =	vst v10  }
0x16c: {  	v9 =	vor.u32 $0x100, v4;
	v10 =	vld.idx.msk [tilespmem:v11+s18+$0x0], $0xffff  }
0x16d: {  	v11 =	vor.u32 $0x100, v3;
	[tilespmem:s3+$0x80] =	vst v1  }
0x16e: {  	[tilespmem:s1+$0x80] =	vst v2;
	v1 =	vld.idx.msk [tilespmem:v6+s18+$0x0], $0xffff  }
0x16f: {  	v2 =	vld.idx.msk [tilespmem:v7+s18+$0x0], $0xffff;
	v6 =	vor.u32 $0x180, v5  }
0x170: {  	v7 =	vor.u32 $0x180, v0;
	[tilespmem:s4+$0x80] =	vst v8  }
0x171: {  	v8 =	vld.idx.msk [tilespmem:v9+s18+$0x0], $0xffff;
	[tilespmem:s22+$0x80] =	vst v10  }
0x172: {  	s0 =	simm.s32 $0x40;
	v9 =	vor.u32 $0x180, v4;
	v10 =	vld.idx.msk [tilespmem:v11+s18+$0x0], $0xffff  }
0x173: {  	s23 =	sand.u32 $0x40, s0;
	v11 =	vld [tilespmem:s0+$0x0];
	[tilespmem:s3+$0x100] =	vst v1  }
0x174: {  	s9 =	sand.u32 $0x780, s0;
	s10 =	sor.u32 $0x30, s23;
	[tilespmem:s1+$0x100] =	vst v2;
	v1 =	vld.idx.msk [tilespmem:v6+s18+$0x0], $0xffff  }
0x175: {  	s8 =	sor.u32 s10, s9;
	v2 =	vor.u32 $0x180, v3;
	v6 =	vld.idx.msk [tilespmem:v7+s18+$0x0], $0xffff  }
0x176: {  	s24 =	sor.u32 $0x10, s23;
	v7 =	vor.u32 $0x200, v5;
	[tilespmem:s4+$0x100] =	vst v8;
	v8 =	vld [tilespmem:s8+$0x0]  }
0x177: {  	s25 =	sor.u32 $0x20, s23;
	s11 =	sor.u32 s24, s9;
	v9 =	vld.idx.msk [tilespmem:v9+s18+$0x0], $0xffff  }
0x178: {  	s9 =	sor.u32 s25, s9;
	v13 =	vld [tilespmem:s11+$0x0];
	v12 =	vor.u32 $0x200, v4;
	v14 =	vshll.u32 v11, $0x3  }
0x179: {  	v15 =	vld [tilespmem:s9+$0x0];
	[tilespmem:s22+$0x100] =	vst v10;
	v10 =	vor.u32 $0x200, v0;
	v11 =	vand.u32 $0x7F, v11;
	v14 =	vand.u32 $0xFFFFFC00, v14  }
0x17a: {  	p0 =	por $0x0, $0x0;
	v16 =	vld.idx.msk [tilespmem:v2+s18+$0x0], $0xffff;
	[tilespmem:s3+$0x180] =	vst v1;
	v1 =	vor.u32 v11, v14;
	s3 =	simm.s32 $0x1  }
0x17b: {  	v11 =	vor.u32 $0x200, v3;
	v7 =	vld.idx.msk [tilespmem:v7+s18+$0x0], $0xffff;
	v2 =	vshll.u32 v8, $0x3;
	s3 =	simm.s32 @!p0 $0x0  }
0x17c: {  	v8 =	vand.u32 $0x7F, v8;
	[tilespmem:s4+$0x180] =	vst v9;
	v2 =	vand.u32 $0xFFFFFC00, v2;
	s3 =	sshll.u32 s3, $0x6;
	v9 =	vor.u32 $0x280, v5  }
0x17d: {  	v14 =	vor.u32 $0x280, v4;
	[tilespmem:s1+$0x180] =	vst v6;
	v6 =	vld.idx.msk [tilespmem:v12+s18+$0x0], $0xffff;
	v12 =	vshll.u32 v13, $0x3;
	v2 =	vor.u32 v8, v2;
	s3 =	sadd.s32 $0x0, s3  }
0x17e: {  	v8 =	vld.idx.msk [tilespmem:v10+s18+$0x0], $0xffff;
	v10 =	vshll.u32 v15, $0x3;
	v13 =	vand.u32 $0x7F, v13;
	v12 =	vand.u32 $0xFFFFFC00, v12;
	s1 =	sadd.s32 $0x30, s3  }
0x17f: {  	v10 =	vand.u32 $0xFFFFFC00, v10;
	[tilespmem:s22+$0x180] =	vst v16;
	v17 =	vld.idx.msk [tilespmem:v1+s18+$0x0], $0xffff;
	v21 =	vor.u32 v13, v12;
	v12 =	vand.u32 $0x7F, v15;
	s11 =	sor.u32 $0x200, s1  }
0x180: {  	s9 =	sadd.s32 $0x10, s3;
	v11 =	vld.idx.msk [tilespmem:v11+s18+$0x0], $0xffff;
	v10 =	vor.u32 v12, v10;
	[tilespmem:s11+$0x14800] =	vst v7  }
0x181: {  	s12 =	sor.u32 $0x200, s9;
	v7 =	vor.u32 $0x280, v0;
	v9 =	vld.idx.msk [tilespmem:v9+s18+$0x0], $0xffff  }
0x182: {  	s2 =	simm.s32 $0x200;
	s13 =	sor.u32 $0x200, s3;
	v12 =	vor.u32 $0x280, v3;
	v13 =	vld.idx.msk [tilespmem:v2+s18+$0x0], $0xffff;
	[tilespmem:s12+$0x14800] =	vst v6  }
0x183: {  	s14 =	sand.u32 $0x3C00, s2;
	s11 =	sadd.s32 $0x20, s3;
	[tilespmem:s13+$0x14800] =	vst v8;
	v8 =	vor.u32 $0x80, v1;
	v6 =	vld.idx.msk [tilespmem:v14+s18+$0x0], $0xffff  }
0x184: {  	s4 =	sadd.s32 $0x14800, s14;
	s12 =	sor.u32 $0x200, s11;
	v14 =	vor.u32 $0x300, v5;
	v15 =	vld.idx.msk [tilespmem:v21+s18+$0x0], $0xffff  }
0x185: {  	s26 =	sor.u32 s23, s4;
	v16 =	vor.u32 $0x80, v2;
	[tilespmem:s12+$0x14800] =	vst v11;
	v18 =	vld.idx.msk [tilespmem:v10+s18+$0x0], $0xffff  }
0x186: {  	s15 =	sor.u32 $0x280, s1;
	v19 =	vor.u32 $0x80, v21;
	[tilespmem:s26+$0x0] =	vst v17;
	v22 =	vld.idx.msk [tilespmem:v7+s18+$0x0], $0xffff  }
0x187: {  	s22 =	sor.u32 s10, s4;
	v7 =	vor.u32 $0x80, v10;
	v11 =	vld.idx.msk [tilespmem:v12+s18+$0x0], $0xffff;
	[tilespmem:s15+$0x14800] =	vst v9  }
0x188: {  	s20 =	sor.u32 $0x280, s9;
	v9 =	vor.u32 $0x300, v4;
	[tilespmem:s22+$0x0] =	vst v13;
	v8 =	vld.idx.msk [tilespmem:v8+s18+$0x0], $0xffff  }
0x189: {  	s12 =	sor.u32 s24, s4;
	v13 =	vor.u32 $0x300, v3;
	v12 =	vld.idx.msk [tilespmem:v14+s18+$0x0], $0xffff;
	[tilespmem:s20+$0x14800] =	vst v6  }
0x18a: {  	s7 =	sor.u32 s25, s4;
	v5 =	vor.u32 $0x380, v5;
	v16 =	vld.idx.msk [tilespmem:v16+s18+$0x0], $0xffff;
	[tilespmem:s12+$0x0] =	vst v15  }
0x18b: {  	s21 =	sor.u32 $0x280, s11;
	v17 =	vor.u32 $0x100, v2;
	v15 =	vld.idx.msk [tilespmem:v19+s18+$0x0], $0xffff;
	[tilespmem:s7+$0x0] =	vst v18  }
0x18c: {  	s24 =	sor.u32 $0x280, s3;
	v18 =	vor.u32 $0x100, v1;
	[tilespmem:s21+$0x14800] =	vst v11;
	v7 =	vld.idx.msk [tilespmem:v7+s18+$0x0], $0xffff  }
0x18d: {  	s23 =	sor.u32 $0x300, s1;
	v6 =	vor.u32 $0x100, v21;
	[tilespmem:s24+$0x14800] =	vst v22;
	v23 =	vld.idx.msk [tilespmem:v9+s18+$0x0], $0xffff  }
0x18e: {  	v20 =	vor.u32 $0x100, v10;
	v14 =	vld.idx.msk [tilespmem:v13+s18+$0x0], $0xffff;
	[tilespmem:s23+$0x14800] =	vst v12  }
0x18f: {  	[tilespmem:s22+$0x80] =	vst v16;
	v16 =	vor.u32 $0x300, v0;
	v24 =	vld.idx.msk [tilespmem:v5+s18+$0x0], $0xffff  }
0x190: {  	v25 =	vor.u32 $0x380, v4;
	[tilespmem:s26+$0x80] =	vst v8;
	v19 =	vld.idx.msk [tilespmem:v17+s18+$0x0], $0xffff  }
0x191: {  	v4 =	vor.u32 $0x380, v21;
	v17 =	vld.idx.msk [tilespmem:v18+s18+$0x0], $0xffff;
	[tilespmem:s12+$0x80] =	vst v15  }
0x192: {  	v11 =	vor.u32 $0x200, v21;
	v22 =	vor.u32 $0x180, v2;
	v13 =	vor.u32 $0x180, v21;
	v18 =	vld.idx.msk [tilespmem:v6+s18+$0x0], $0xffff;
	[tilespmem:s7+$0x80] =	vst v7  }
0x193: {  	s14 =	simm.s32 $0x80;
	s28 =	sor.u32 $0x300, s3;
	s25 =	sor.u32 $0x300, s9;
	v8 =	vor.u32 $0x280, v21;
	v6 =	vor.u32 $0x300, v21;
	v21 =	vor.u32 $0x180, v1;
	v20 =	vld.idx.msk [tilespmem:v20+s18+$0x0], $0xffff  }
0x194: {  	s1 =	sor.u32 $0x380, s1;
	s29 =	sor.u32 $0x300, s11;
	s8 =	sor.u32 $0x380, s11;
	v3 =	vor.u32 $0x380, v3;
	v9 =	vor.u32 $0x200, v10;
	v12 =	vor.u32 $0x180, v10;
	[tilespmem:s25+$0x14800] =	vst v23;
	v15 =	vld.idx.msk [tilespmem:v16+s18+$0x0], $0xffff  }
0x195: {  	s13 =	simm.s32 $0x4;
	s3 =	sor.u32 $0x380, s3;
	s15 =	sor.u32 $0x380, s9;
	v5 =	vor.u32 $0x300, v10;
	v7 =	vor.u32 $0x280, v10;
	v10 =	vor.u32 $0x380, v10;
	v16 =	vld.idx.msk [tilespmem:v25+s18+$0x0], $0xffff;
	[tilespmem:s1+$0x14800] =	vst v24  }
.LBB2_11:
0x196: {  	v23 =	vld [tilespmem:s14+$0x0];
	[tilespmem:s22+$0x100] =	vst v19;
	s0 =	sadd.s32 $0x40, s0  }
0x197: {  	s13 =	sadd.s32 $0x4, s13;
	s20 =	sand.u32 $0x40, s0;
	[tilespmem:s26+$0x100] =	vst v17;
	v17 =	vld.idx.msk [tilespmem:v22+s18+$0x0], $0xffff  }
0x198: {  	s1 =	sand.u32 $0x780, s0;
	p1 =	slt.u32 s13, $0x7C;
	s6 =	sor.u32 $0x30, s20;
	v19 =	vld.idx.msk [tilespmem:v21+s18+$0x0], $0xffff;
	[tilespmem:s12+$0x100] =	vst v18  }
0x199: {  	s10 =	sor.u32 $0x10, s20;
	s9 =	sor.u32 $0x20, s20;
	v18 =	vor.u32 $0x200, v2;
	s4 =	sor.u32 s6, s1;
	v13 =	vld.idx.msk [tilespmem:v13+s18+$0x0], $0xffff;
	[tilespmem:s7+$0x100] =	vst v20  }
0x19a: {  	v21 =	vor.u32 $0x200, v1;
	s11 =	sor.u32 s10, s1;
	s1 =	sor.u32 s9, s1;
	v20 =	vld [tilespmem:s4+$0x0];
	[tilespmem:s29+$0x14800] =	vst v14  }
0x19b: {  	v14 =	vld [tilespmem:s11+$0x0];
	[tilespmem:s28+$0x14800] =	vst v15  }
0x19c: {  	v15 =	vshll.u32 v23, $0x3;
	v22 =	vld [tilespmem:s1+$0x0];
	[tilespmem:s15+$0x14800] =	vst v16  }
0x19d: {  	v16 =	vand.u32 $0x7F, v23;
	v15 =	vand.u32 $0xFFFFFC00, v15;
	v12 =	vld.idx.msk [tilespmem:v12+s18+$0x0], $0xffff;
	[tilespmem:s22+$0x180] =	vst v17;
	v17 =	vor.u32 $0x380, v0;
	v0 =	vmovc v1  }
0x19e: {  	p0 =	por !p0, !p0;
	s1 =	simm.s32 $0x1;
	v1 =	vor.u32 v16, v15;
	[tilespmem:s26+$0x180] =	vst v19;
	v15 =	vld.idx.msk [tilespmem:v18+s18+$0x0], $0xffff  }
0x19f: {  	s1 =	simm.s32 @!p0 $0x0;
	v16 =	vshll.u32 v20, $0x3;
	v18 =	vld.idx.msk [tilespmem:v21+s18+$0x0], $0xffff;
	[tilespmem:s12+$0x180] =	vst v13  }
0x1a0: {  	s1 =	sshll.u32 s1, $0x6;
	v13 =	vand.u32 $0x7F, v20;
	v16 =	vand.u32 $0xFFFFFC00, v16;
	v19 =	vld.idx.msk [tilespmem:v11+s18+$0x0], $0xffff;
	v11 =	vor.u32 $0x280, v2  }
0x1a1: {  	s12 =	sadd.s32 s1, s2;
	v20 =	vshll.u32 v14, $0x3;
	v21 =	vshll.u32 v22, $0x3;
	v16 =	vor.u32 v13, v16;
	v23 =	vld.idx.msk [tilespmem:v3+s18+$0x0], $0xffff;
	v3 =	vmovc v10  }
0x1a2: {  	s15 =	sadd.s32 $0x10, s12;
	s22 =	sadd.s32 $0x20, s12;
	s11 =	sadd.s32 $0x30, s12;
	v10 =	vand.u32 $0x7F, v14;
	v13 =	vand.u32 $0xFFFFFC00, v20;
	v14 =	vand.u32 $0xFFFFFC00, v21;
	v17 =	vld.idx.msk [tilespmem:v17+s18+$0x0], $0xffff  }
0x1a3: {  	s23 =	sor.u32 $0x200, s15;
	s1 =	sor.u32 $0x200, s11;
	v10 =	vor.u32 v10, v13;
	v13 =	vand.u32 $0x7F, v22;
	v21 =	vor.u32 $0x280, v0;
	v20 =	vld.idx.msk [tilespmem:v1+s18+$0x0], $0xffff;
	[tilespmem:s7+$0x180] =	vst v12;
	s7 =	sor.u32 $0x200, s22  }
0x1a4: {  	s24 =	sor.u32 $0x200, s12;
	s21 =	sor.u32 $0x280, s15;
	s4 =	sor.u32 $0x280, s22;
	v22 =	vor.u32 $0x80, v10;
	v24 =	vor.u32 $0x100, v10;
	v14 =	vor.u32 v13, v14;
	v25 =	vld.idx.msk [tilespmem:v9+s18+$0x0], $0xffff;
	[tilespmem:s1+$0x14800] =	vst v15  }
0x1a5: {  	s29 =	sor.u32 $0x300, s22;
	v13 =	vor.u32 $0x180, v10;
	v15 =	vor.u32 $0x80, v14;
	v26 =	vor.u32 $0x100, v14;
	s1 =	sor.u32 $0x300, s15;
	[tilespmem:s24+$0x14800] =	vst v18;
	s24 =	sor.u32 $0x280, s12;
	v18 =	vld.idx.msk [tilespmem:v11+s18+$0x0], $0xffff  }
0x1a6: {  	s28 =	sor.u32 $0x300, s12;
	s22 =	sor.u32 $0x380, s22;
	v12 =	vor.u32 $0x180, v14;
	v9 =	vor.u32 $0x200, v14;
	s15 =	sor.u32 $0x380, s15;
	v11 =	vor.u32 $0x200, v10;
	v27 =	vld.idx.msk [tilespmem:v16+s18+$0x0], $0xffff;
	[tilespmem:s23+$0x14800] =	vst v19  }
0x1a7: {  	v29 =	vor.u32 $0x300, v2;
	s12 =	sor.u32 $0x380, s12;
	v19 =	vor.u32 $0x280, v14;
	v28 =	vld.idx.msk [tilespmem:v8+s18+$0x0], $0xffff;
	v8 =	vor.u32 $0x280, v10;
	[tilespmem:s8+$0x14800] =	vst v23;
	s8 =	smov.u32 s22  }
0x1a8: {  	s2 =	sadd.s32 $0x200, s2;
	v32 =	vor.u32 $0x80, v16;
	v30 =	vor.u32 $0x300, v10;
	v31 =	vor.u32 $0x300, v14;
	v23 =	vld.idx.msk [tilespmem:v10+s18+$0x0], $0xffff;
	[tilespmem:s3+$0x14800] =	vst v17;
	s3 =	smov.u32 s12  }
0x1a9: {  	v33 =	vor.u32 $0x380, v10;
	s12 =	sand.u32 $0x3C00, s2;
	v17 =	vor.u32 $0x80, v1;
	v10 =	vor.u32 $0x380, v14;
	v34 =	vld.idx.msk [tilespmem:v14+s18+$0x0], $0xffff  }
0x1aa: {  	s23 =	sadd.s32 $0x14800, s12;
	v35 =	vld.idx.msk [tilespmem:v21+s18+$0x0], $0xffff;
	[tilespmem:s7+$0x14800] =	vst v25;
	s7 =	sor.u32 $0x280, s11  }
0x1ab: {  	s26 =	sor.u32 s20, s23;
	s12 =	sor.u32 s10, s23;
	s22 =	sor.u32 s6, s23;
	v14 =	vld.idx.msk [tilespmem:v7+s18+$0x0], $0xffff;
	[tilespmem:s7+$0x14800] =	vst v18;
	v7 =	vmov v19  }
0x1ac: {  	s7 =	sor.u32 s9, s23;
	[tilespmem:s22+$0x0] =	vst v27;
	v18 =	vld.idx.msk [tilespmem:v29+s18+$0x0], $0xffff  }
0x1ad: {  	[tilespmem:s26+$0x0] =	vst v20;
	v19 =	vld.idx.msk [tilespmem:v32+s18+$0x0], $0xffff  }
0x1ae: {  	v20 =	vor.u32 $0x380, v2;
	v2 =	vmov v16;
	v17 =	vld.idx.msk [tilespmem:v17+s18+$0x0], $0xffff;
	[tilespmem:s12+$0x0] =	vst v23  }
0x1af: {  	v21 =	vor.u32 $0x100, v2;
	v16 =	vld.idx.msk [tilespmem:v22+s18+$0x0], $0xffff;
	[tilespmem:s7+$0x0] =	vst v34  }
0x1b0: {  	v22 =	vor.u32 $0x100, v1;
	v15 =	vld.idx.msk [tilespmem:v15+s18+$0x0], $0xffff;
	[tilespmem:s21+$0x14800] =	vst v28  }
0x1b1: {  	v23 =	vld.idx.msk [tilespmem:v6+s18+$0x0], $0xffff;
	[tilespmem:s4+$0x14800] =	vst v14;
	s4 =	sor.u32 $0x300, s11;
	v6 =	vmov v30  }
0x1b2: {  	v14 =	vld.idx.msk [tilespmem:v5+s18+$0x0], $0xffff;
	[tilespmem:s4+$0x14800] =	vst v18;
	v5 =	vmov v31  }
0x1b3: {  	v25 =	vor.u32 $0x300, v0;
	[tilespmem:s22+$0x80] =	vst v19;
	v27 =	vld.idx.msk [tilespmem:v20+s18+$0x0], $0xffff  }
0x1b4: {  	[tilespmem:s26+$0x80] =	vst v17;
	v19 =	vld.idx.msk [tilespmem:v21+s18+$0x0], $0xffff  }
.Ltmp5:
0x1b5: {  	v17 =	vld.idx.msk [tilespmem:v22+s18+$0x0], $0xffff;
	[tilespmem:s12+$0x80] =	vst v16;
	(pc) =	sbr.rel @p1 .LBB2_11-.Ltmp5, $4  }
0x1b6: {  	v22 =	vor.u32 $0x180, v2;
	v18 =	vld.idx.msk [tilespmem:v24+s18+$0x0], $0xffff;
	[tilespmem:s7+$0x80] =	vst v15  }
0x1b7: {  	v21 =	vor.u32 $0x180, v1;
	v20 =	vld.idx.msk [tilespmem:v26+s18+$0x0], $0xffff;
	[tilespmem:s24+$0x14800] =	vst v35  }
0x1b8: {  	v15 =	vld.idx.msk [tilespmem:v25+s18+$0x0], $0xffff;
	[tilespmem:s1+$0x14800] =	vst v23;
	s1 =	sor.u32 $0x380, s11  }
0x1b9: {  	s14 =	sadd.s32 $0x40, s14;
	v16 =	vld.idx.msk [tilespmem:v4+s18+$0x0], $0xffff;
	[tilespmem:s1+$0x14800] =	vst v27;
	v4 =	vmov v33  }
0x1ba: {  	_ =	sdelay $0x2  }
0x1bb: {  	[tilespmem:s22+$0x100] =	vst v19  }
0x1bc: {  	[tilespmem:s26+$0x100] =	vst v17;
	v19 =	vld.idx.msk [tilespmem:v22+s18+$0x0], $0xffff  }
0x1bd: {  	v53 =	vor.u32 $0x200, v2;
	[tilespmem:s12+$0x100] =	vst v18;
	v17 =	vld.idx.msk [tilespmem:v21+s18+$0x0], $0xffff  }
0x1be: {  	v54 =	vor.u32 $0x200, v1;
	v13 =	vld.idx.msk [tilespmem:v13+s18+$0x0], $0xffff;
	[tilespmem:s7+$0x100] =	vst v20  }
0x1bf: {  	v12 =	vld.idx.msk [tilespmem:v12+s18+$0x0], $0xffff;
	_ =	sdelay $0x1  }
0x1c0: {  	p0 =	por !p0, !p0;
	s0 =	simm.s32 $0x1;
	[tilespmem:s22+$0x180] =	vst v19  }
0x1c1: {  	s0 =	simm.s32 @!p0 $0x0;
	[tilespmem:s26+$0x180] =	vst v17;
	v18 =	vld.idx.msk [tilespmem:v53+s18+$0x0], $0xffff  }
0x1c2: {  	v55 =	vor.u32 $0x280, v2;
	s0 =	sshll.u32 s0, $0x6;
	[tilespmem:s12+$0x180] =	vst v13;
	v56 =	vld.idx.msk [tilespmem:v54+s18+$0x0], $0xffff  }
0x1c3: {  	v57 =	vor.u32 $0x280, v1;
	s0 =	sadd.s32 s0, s2;
	v11 =	vld.idx.msk [tilespmem:v11+s18+$0x0], $0xffff;
	[tilespmem:s7+$0x180] =	vst v12  }
0x1c4: {  	s1 =	sadd.s32 $0x30, s0;
	v9 =	vld.idx.msk [tilespmem:v9+s18+$0x0], $0xffff  }
0x1c5: {  	s4 =	sor.u32 $0x200, s1  }
0x1c6: {  	s2 =	sadd.s32 $0x10, s0;
	s13 =	sor.u32 $0x200, s0;
	[tilespmem:s4+$0x14800] =	vst v18  }
0x1c7: {  	s6 =	sadd.s32 $0x20, s0;
	s11 =	sor.u32 $0x200, s2;
	[tilespmem:s13+$0x14800] =	vst v56;
	v13 =	vld.idx.msk [tilespmem:v55+s18+$0x0], $0xffff  }
0x1c8: {  	v58 =	vor.u32 $0x300, v2;
	s12 =	sor.u32 $0x200, s6;
	[tilespmem:s11+$0x14800] =	vst v11;
	v59 =	vld.idx.msk [tilespmem:v57+s18+$0x0], $0xffff  }
0x1c9: {  	v60 =	vor.u32 $0x300, v1;
	v8 =	vld.idx.msk [tilespmem:v8+s18+$0x0], $0xffff;
	[tilespmem:s12+$0x14800] =	vst v9  }
0x1ca: {  	v7 =	vld.idx.msk [tilespmem:v7+s18+$0x0], $0xffff  }
0x1cb: {  	[tilespmem:s29+$0x14800] =	vst v14;
	s14 =	sor.u32 $0x280, s1  }
0x1cc: {  	s22 =	sor.u32 $0x280, s0;
	[tilespmem:s14+$0x14800] =	vst v13  }
0x1cd: {  	v0 =	vor.u32 $0x380, v0;
	s20 =	sor.u32 $0x280, s2;
	[tilespmem:s22+$0x14800] =	vst v59;
	v11 =	vld.idx.msk [tilespmem:v58+s18+$0x0], $0xffff  }
0x1ce: {  	v61 =	vor.u32 $0x380, v2;
	s21 =	sor.u32 $0x280, s6;
	[tilespmem:s20+$0x14800] =	vst v8;
	v62 =	vld.idx.msk [tilespmem:v60+s18+$0x0], $0xffff  }
0x1cf: {  	v63 =	vor.u32 $0x380, v1;
	v6 =	vld.idx.msk [tilespmem:v6+s18+$0x0], $0xffff;
	[tilespmem:s21+$0x14800] =	vst v7  }
0x1d0: {  	[tilespmem:s28+$0x14800] =	vst v15;
	v5 =	vld.idx.msk [tilespmem:v5+s18+$0x0], $0xffff  }
0x1d1: {  	v3 =	vld.idx.msk [tilespmem:v3+s18+$0x0], $0xffff;
	[tilespmem:s15+$0x14800] =	vst v16;
	s23 =	sor.u32 $0x300, s1  }
0x1d2: {  	v0 =	vld.idx.msk [tilespmem:v0+s18+$0x0], $0xffff;
	s26 =	sor.u32 $0x300, s0;
	[tilespmem:s23+$0x14800] =	vst v11  }
0x1d3: {  	s24 =	sor.u32 $0x300, s2;
	[tilespmem:s26+$0x14800] =	vst v62;
	v2 =	vld.idx.msk [tilespmem:v61+s18+$0x0], $0xffff  }
0x1d4: {  	s25 =	sor.u32 $0x300, s6;
	[tilespmem:s24+$0x14800] =	vst v6;
	v1 =	vld.idx.msk [tilespmem:v63+s18+$0x0], $0xffff  }
0x1d5: {  	v4 =	vld.idx.msk [tilespmem:v4+s18+$0x0], $0xffff;
	[tilespmem:s25+$0x14800] =	vst v5  }
0x1d6: {  	s30 =	sadd.s32 $0x1, s30;
	[tilespmem:s8+$0x14800] =	vst v3;
	v5 =	vld.idx.msk [tilespmem:v10+s18+$0x0], $0xffff  }
0x1d7: {  	p0 =	sne.s32 s30, $0x15;
	s1 =	sor.u32 $0x380, s1;
	[tilespmem:s3+$0x14800] =	vst v0  }
.Ltmp6:
0x1d8: {  	s0 =	sor.u32 $0x380, s0;
	[tilespmem:s1+$0x14800] =	vst v2;
	(pc) =	sbr.rel @p0 .LBB2_2-.Ltmp6, $4  }
0x1d9: {  	s2 =	sor.u32 $0x380, s2;
	[tilespmem:s0+$0x14800] =	vst v1  }
0x1da: {  	s29 =	rddreg [dreg:$0x2];
	s28 =	sor.u32 $0x380, s6;
	[tilespmem:s2+$0x14800] =	vst v4  }
0x1db: {  	s0 =	sadd.s32 s29, s31;
	s31 =	simm.s32 $0x14800;
	[tilespmem:s28+$0x14800] =	vst v5  }
0x1dc: {  	[hbm4b:s0+s5] =	stream.linear.scatter [tilespmem:s31], [sflag:$0x6], $0x4000, $0x38;
	[tilespmem:$0x18800] =	vst v63  }
0x1dd: {  	_ =	swait.ge [sflag:s19], $0x4000  }
0x1de: {  	[sflag:s19] =	ssyncset.done $0x0  }
0x1df: {  	s0 =	simm.s32 $0x0;
	s25 =	simm.s32 $0x4;
	[sflag:s19] =	ssyncadd.s32 $0xFFFFC000  }
0x1e0: {  	s1 =	sand.u32 $0x40, s0;
	_ =	swait.ge [sflag:s25], $0x4000  }
0x1e1: {  	s2 =	sand.u32 $0x780, s0;
	s3 =	sor.u32 $0x30, s1;
	[sflag:s25] =	ssyncset.done $0x0  }
0x1e2: {  	s4 =	sor.u32 s3, s2;
	[sflag:s25] =	ssyncadd.s32 $0xFFFFC000  }
0x1e3: {  	v0 =	vld [tilespmem:s4+$0x0]  }
0x1e4: {  	s23 =	sor.u32 $0x10, s1;
	v1 =	vld [tilespmem:s0+$0x0]  }
0x1e5: {  	s6 =	sor.u32 $0x20, s1;
	s7 =	sor.u32 s23, s2  }
0x1e6: {  	s2 =	sor.u32 s6, s2;
	v2 =	vld [tilespmem:s7+$0x0]  }
0x1e7: {  	v3 =	vld [tilespmem:s2+$0x0]  }
0x1e8: {  	v4 =	vshll.u32 v0, $0x3  }
0x1e9: {  	v5 =	vshll.u32 v1, $0x3;
	v0 =	vand.u32 $0x7F, v0;
	v4 =	vand.u32 $0xFFFFFC00, v4  }
0x1ea: {  	v1 =	vand.u32 $0x7F, v1;
	v6 =	vand.u32 $0xFFFFFC00, v5;
	v5 =	vor.u32 v0, v4  }
0x1eb: {  	v0 =	vor.u32 v1, v6;
	v1 =	vshll.u32 v2, $0x3  }
0x1ec: {  	v4 =	vshll.u32 v3, $0x3;
	v2 =	vand.u32 $0x7F, v2;
	v1 =	vand.u32 $0xFFFFFC00, v1  }
0x1ed: {  	v6 =	vand.u32 $0xFFFFFC00, v4;
	v4 =	vor.u32 v2, v1;
	v1 =	vand.u32 $0x7F, v3  }
0x1ee: {  	v3 =	vor.u32 v1, v6  }
0x1ef: {  	v1 =	vld.idx.msk [tilespmem:v5+s16+$0x0], $0xffff  }
0x1f0: {  	v6 =	vor.u32 $0x80, v5;
	v2 =	vld.idx.msk [tilespmem:v0+s16+$0x0], $0xffff  }
0x1f1: {  	s0 =	sand.u32 $0x3C00, s0;
	v7 =	vor.u32 $0x80, v0  }
0x1f2: {  	s0 =	sadd.s32 $0xC800, s0;
	v8 =	vld.idx.msk [tilespmem:v4+s16+$0x0], $0xffff  }
0x1f3: {  	s3 =	sor.u32 s3, s0;
	v9 =	vor.u32 $0x80, v4;
	v10 =	vld.idx.msk [tilespmem:v3+s16+$0x0], $0xffff  }
0x1f4: {  	s1 =	sor.u32 s1, s0;
	v11 =	vor.u32 $0x80, v3;
	[tilespmem:s3+$0x0] =	vst v1  }
0x1f5: {  	[tilespmem:s1+$0x0] =	vst v2;
	v1 =	vld.idx.msk [tilespmem:v6+s16+$0x0], $0xffff  }
0x1f6: {  	s4 =	sor.u32 s23, s0;
	v2 =	vld.idx.msk [tilespmem:v7+s16+$0x0], $0xffff;
	v6 =	vor.u32 $0x100, v5  }
0x1f7: {  	s24 =	sor.u32 s6, s0;
	v7 =	vor.u32 $0x100, v0;
	[tilespmem:s4+$0x0] =	vst v8  }
0x1f8: {  	v8 =	vld.idx.msk [tilespmem:v9+s16+$0x0], $0xffff;
	[tilespmem:s24+$0x0] =	vst v10  }
0x1f9: {  	v9 =	vor.u32 $0x100, v4;
	v10 =	vld.idx.msk [tilespmem:v11+s16+$0x0], $0xffff  }
0x1fa: {  	v11 =	vor.u32 $0x100, v3;
	[tilespmem:s3+$0x80] =	vst v1  }
0x1fb: {  	[tilespmem:s1+$0x80] =	vst v2;
	v1 =	vld.idx.msk [tilespmem:v6+s16+$0x0], $0xffff  }
0x1fc: {  	v2 =	vld.idx.msk [tilespmem:v7+s16+$0x0], $0xffff;
	v6 =	vor.u32 $0x180, v5  }
0x1fd: {  	v7 =	vor.u32 $0x180, v0;
	[tilespmem:s4+$0x80] =	vst v8  }
0x1fe: {  	v8 =	vld.idx.msk [tilespmem:v9+s16+$0x0], $0xffff;
	[tilespmem:s24+$0x80] =	vst v10  }
0x1ff: {  	s0 =	simm.s32 $0x40;
	v9 =	vor.u32 $0x180, v4;
	v10 =	vld.idx.msk [tilespmem:v11+s16+$0x0], $0xffff  }
0x200: {  	s26 =	sand.u32 $0x40, s0;
	v11 =	vld [tilespmem:s0+$0x0];
	[tilespmem:s3+$0x100] =	vst v1  }
0x201: {  	s9 =	sand.u32 $0x780, s0;
	s10 =	sor.u32 $0x30, s26;
	[tilespmem:s1+$0x100] =	vst v2;
	v1 =	vld.idx.msk [tilespmem:v6+s16+$0x0], $0xffff  }
0x202: {  	s8 =	sor.u32 s10, s9;
	v2 =	vor.u32 $0x180, v3;
	v6 =	vld.idx.msk [tilespmem:v7+s16+$0x0], $0xffff  }
0x203: {  	s30 =	sor.u32 $0x10, s26;
	v7 =	vor.u32 $0x200, v5;
	[tilespmem:s4+$0x100] =	vst v8;
	v8 =	vld [tilespmem:s8+$0x0]  }
0x204: {  	s31 =	sor.u32 $0x20, s26;
	s11 =	sor.u32 s30, s9;
	v9 =	vld.idx.msk [tilespmem:v9+s16+$0x0], $0xffff  }
0x205: {  	s9 =	sor.u32 s31, s9;
	v13 =	vld [tilespmem:s11+$0x0];
	v12 =	vor.u32 $0x200, v4;
	v14 =	vshll.u32 v11, $0x3  }
0x206: {  	v15 =	vld [tilespmem:s9+$0x0];
	[tilespmem:s24+$0x100] =	vst v10;
	v10 =	vor.u32 $0x200, v0;
	v11 =	vand.u32 $0x7F, v11;
	v14 =	vand.u32 $0xFFFFFC00, v14  }
0x207: {  	p0 =	por $0x0, $0x0;
	v16 =	vld.idx.msk [tilespmem:v2+s16+$0x0], $0xffff;
	[tilespmem:s3+$0x180] =	vst v1;
	v1 =	vor.u32 v11, v14;
	s3 =	simm.s32 $0x1  }
0x208: {  	v11 =	vor.u32 $0x200, v3;
	v7 =	vld.idx.msk [tilespmem:v7+s16+$0x0], $0xffff;
	v2 =	vshll.u32 v8, $0x3;
	s3 =	simm.s32 @!p0 $0x0  }
0x209: {  	v8 =	vand.u32 $0x7F, v8;
	[tilespmem:s4+$0x180] =	vst v9;
	v2 =	vand.u32 $0xFFFFFC00, v2;
	s3 =	sshll.u32 s3, $0x6;
	v9 =	vor.u32 $0x280, v5  }
0x20a: {  	v14 =	vor.u32 $0x280, v4;
	[tilespmem:s1+$0x180] =	vst v6;
	v6 =	vld.idx.msk [tilespmem:v12+s16+$0x0], $0xffff;
	v12 =	vshll.u32 v13, $0x3;
	v2 =	vor.u32 v8, v2;
	s3 =	sadd.s32 $0x0, s3  }
0x20b: {  	v8 =	vld.idx.msk [tilespmem:v10+s16+$0x0], $0xffff;
	v10 =	vshll.u32 v15, $0x3;
	v13 =	vand.u32 $0x7F, v13;
	v12 =	vand.u32 $0xFFFFFC00, v12;
	s1 =	sadd.s32 $0x30, s3  }
0x20c: {  	v10 =	vand.u32 $0xFFFFFC00, v10;
	[tilespmem:s24+$0x180] =	vst v16;
	v17 =	vld.idx.msk [tilespmem:v1+s16+$0x0], $0xffff;
	v21 =	vor.u32 v13, v12;
	v12 =	vand.u32 $0x7F, v15;
	s12 =	sor.u32 $0x200, s1  }
0x20d: {  	s9 =	sadd.s32 $0x10, s3;
	v11 =	vld.idx.msk [tilespmem:v11+s16+$0x0], $0xffff;
	v10 =	vor.u32 v12, v10;
	[tilespmem:s12+$0xC800] =	vst v7  }
0x20e: {  	s13 =	sor.u32 $0x200, s9;
	v7 =	vor.u32 $0x280, v0;
	v9 =	vld.idx.msk [tilespmem:v9+s16+$0x0], $0xffff  }
0x20f: {  	s2 =	simm.s32 $0x200;
	s14 =	sor.u32 $0x200, s3;
	v12 =	vor.u32 $0x280, v3;
	v13 =	vld.idx.msk [tilespmem:v2+s16+$0x0], $0xffff;
	[tilespmem:s13+$0xC800] =	vst v6  }
0x210: {  	s15 =	sand.u32 $0x3C00, s2;
	s11 =	sadd.s32 $0x20, s3;
	[tilespmem:s14+$0xC800] =	vst v8;
	v8 =	vor.u32 $0x80, v1;
	v6 =	vld.idx.msk [tilespmem:v14+s16+$0x0], $0xffff  }
0x211: {  	s4 =	sadd.s32 $0xC800, s15;
	s12 =	sor.u32 $0x200, s11;
	v14 =	vor.u32 $0x300, v5;
	v15 =	vld.idx.msk [tilespmem:v21+s16+$0x0], $0xffff  }
0x212: {  	s26 =	sor.u32 s26, s4;
	v16 =	vor.u32 $0x80, v2;
	[tilespmem:s12+$0xC800] =	vst v11;
	v18 =	vld.idx.msk [tilespmem:v10+s16+$0x0], $0xffff  }
0x213: {  	s20 =	sor.u32 $0x280, s1;
	v19 =	vor.u32 $0x80, v21;
	[tilespmem:s26+$0x0] =	vst v17;
	v22 =	vld.idx.msk [tilespmem:v7+s16+$0x0], $0xffff  }
0x214: {  	s22 =	sor.u32 s10, s4;
	v7 =	vor.u32 $0x80, v10;
	v11 =	vld.idx.msk [tilespmem:v12+s16+$0x0], $0xffff;
	[tilespmem:s20+$0xC800] =	vst v9  }
0x215: {  	s21 =	sor.u32 $0x280, s9;
	v9 =	vor.u32 $0x300, v4;
	[tilespmem:s22+$0x0] =	vst v13;
	v8 =	vld.idx.msk [tilespmem:v8+s16+$0x0], $0xffff  }
0x216: {  	s12 =	sor.u32 s30, s4;
	v13 =	vor.u32 $0x300, v3;
	v12 =	vld.idx.msk [tilespmem:v14+s16+$0x0], $0xffff;
	[tilespmem:s21+$0xC800] =	vst v6  }
0x217: {  	s7 =	sor.u32 s31, s4;
	v5 =	vor.u32 $0x380, v5;
	v16 =	vld.idx.msk [tilespmem:v16+s16+$0x0], $0xffff;
	[tilespmem:s12+$0x0] =	vst v15  }
0x218: {  	s23 =	sor.u32 $0x280, s11;
	v17 =	vor.u32 $0x100, v2;
	v15 =	vld.idx.msk [tilespmem:v19+s16+$0x0], $0xffff;
	[tilespmem:s7+$0x0] =	vst v18  }
0x219: {  	s30 =	sor.u32 $0x280, s3;
	v18 =	vor.u32 $0x100, v1;
	[tilespmem:s23+$0xC800] =	vst v11;
	v7 =	vld.idx.msk [tilespmem:v7+s16+$0x0], $0xffff  }
0x21a: {  	s24 =	sor.u32 $0x300, s1;
	v6 =	vor.u32 $0x100, v21;
	[tilespmem:s30+$0xC800] =	vst v22;
	v23 =	vld.idx.msk [tilespmem:v9+s16+$0x0], $0xffff  }
0x21b: {  	v20 =	vor.u32 $0x100, v10;
	v14 =	vld.idx.msk [tilespmem:v13+s16+$0x0], $0xffff;
	[tilespmem:s24+$0xC800] =	vst v12  }
0x21c: {  	[tilespmem:s22+$0x80] =	vst v16;
	v16 =	vor.u32 $0x300, v0;
	v24 =	vld.idx.msk [tilespmem:v5+s16+$0x0], $0xffff  }
0x21d: {  	v25 =	vor.u32 $0x380, v4;
	[tilespmem:s26+$0x80] =	vst v8;
	v19 =	vld.idx.msk [tilespmem:v17+s16+$0x0], $0xffff  }
0x21e: {  	v4 =	vor.u32 $0x380, v21;
	v17 =	vld.idx.msk [tilespmem:v18+s16+$0x0], $0xffff;
	[tilespmem:s12+$0x80] =	vst v15  }
0x21f: {  	v11 =	vor.u32 $0x200, v21;
	v22 =	vor.u32 $0x180, v2;
	v13 =	vor.u32 $0x180, v21;
	v18 =	vld.idx.msk [tilespmem:v6+s16+$0x0], $0xffff;
	[tilespmem:s7+$0x80] =	vst v7  }
0x220: {  	s28 =	sor.u32 $0x300, s3;
	s31 =	sor.u32 $0x300, s9;
	s29 =	sor.u32 $0x300, s11;
	v8 =	vor.u32 $0x280, v21;
	v6 =	vor.u32 $0x300, v21;
	v21 =	vor.u32 $0x180, v1;
	v20 =	vld.idx.msk [tilespmem:v20+s16+$0x0], $0xffff  }
0x221: {  	s15 =	sor.u32 $0x380, s9;
	s1 =	sor.u32 $0x380, s1;
	s8 =	sor.u32 $0x380, s11;
	v3 =	vor.u32 $0x380, v3;
	v9 =	vor.u32 $0x200, v10;
	v12 =	vor.u32 $0x180, v10;
	[tilespmem:s31+$0xC800] =	vst v23;
	v15 =	vld.idx.msk [tilespmem:v16+s16+$0x0], $0xffff  }
0x222: {  	s13 =	simm.s32 $0x4;
	s14 =	simm.s32 $0x80;
	s3 =	sor.u32 $0x380, s3;
	v5 =	vor.u32 $0x300, v10;
	v7 =	vor.u32 $0x280, v10;
	v10 =	vor.u32 $0x380, v10;
	v16 =	vld.idx.msk [tilespmem:v25+s16+$0x0], $0xffff;
	[tilespmem:s1+$0xC800] =	vst v24  }
.LBB2_14:
0x223: {  	v23 =	vld [tilespmem:s14+$0x0];
	[tilespmem:s22+$0x100] =	vst v19;
	s0 =	sadd.s32 $0x40, s0  }
0x224: {  	s13 =	sadd.s32 $0x4, s13;
	s20 =	sand.u32 $0x40, s0;
	[tilespmem:s26+$0x100] =	vst v17;
	v17 =	vld.idx.msk [tilespmem:v22+s16+$0x0], $0xffff  }
0x225: {  	s1 =	sand.u32 $0x780, s0;
	p1 =	slt.u32 s13, $0x7C;
	s6 =	sor.u32 $0x30, s20;
	v19 =	vld.idx.msk [tilespmem:v21+s16+$0x0], $0xffff;
	[tilespmem:s12+$0x100] =	vst v18  }
0x226: {  	s10 =	sor.u32 $0x10, s20;
	s9 =	sor.u32 $0x20, s20;
	v18 =	vor.u32 $0x200, v2;
	s4 =	sor.u32 s6, s1;
	v13 =	vld.idx.msk [tilespmem:v13+s16+$0x0], $0xffff;
	[tilespmem:s7+$0x100] =	vst v20  }
0x227: {  	v21 =	vor.u32 $0x200, v1;
	s11 =	sor.u32 s10, s1;
	s1 =	sor.u32 s9, s1;
	v20 =	vld [tilespmem:s4+$0x0];
	[tilespmem:s29+$0xC800] =	vst v14  }
0x228: {  	v14 =	vld [tilespmem:s11+$0x0];
	[tilespmem:s28+$0xC800] =	vst v15  }
0x229: {  	v15 =	vshll.u32 v23, $0x3;
	v22 =	vld [tilespmem:s1+$0x0];
	[tilespmem:s15+$0xC800] =	vst v16  }
0x22a: {  	v16 =	vand.u32 $0x7F, v23;
	v15 =	vand.u32 $0xFFFFFC00, v15;
	v12 =	vld.idx.msk [tilespmem:v12+s16+$0x0], $0xffff;
	[tilespmem:s22+$0x180] =	vst v17;
	v17 =	vor.u32 $0x380, v0;
	v0 =	vmovc v1  }
0x22b: {  	p0 =	por !p0, !p0;
	s1 =	simm.s32 $0x1;
	v1 =	vor.u32 v16, v15;
	[tilespmem:s26+$0x180] =	vst v19;
	v15 =	vld.idx.msk [tilespmem:v18+s16+$0x0], $0xffff  }
0x22c: {  	s1 =	simm.s32 @!p0 $0x0;
	v16 =	vshll.u32 v20, $0x3;
	v18 =	vld.idx.msk [tilespmem:v21+s16+$0x0], $0xffff;
	[tilespmem:s12+$0x180] =	vst v13  }
0x22d: {  	s1 =	sshll.u32 s1, $0x6;
	v13 =	vand.u32 $0x7F, v20;
	v16 =	vand.u32 $0xFFFFFC00, v16;
	v19 =	vld.idx.msk [tilespmem:v11+s16+$0x0], $0xffff;
	v11 =	vor.u32 $0x280, v2  }
0x22e: {  	s12 =	sadd.s32 s1, s2;
	v20 =	vshll.u32 v14, $0x3;
	v21 =	vshll.u32 v22, $0x3;
	v16 =	vor.u32 v13, v16;
	v23 =	vld.idx.msk [tilespmem:v3+s16+$0x0], $0xffff;
	v3 =	vmovc v10  }
0x22f: {  	s15 =	sadd.s32 $0x10, s12;
	s22 =	sadd.s32 $0x20, s12;
	s11 =	sadd.s32 $0x30, s12;
	v10 =	vand.u32 $0x7F, v14;
	v13 =	vand.u32 $0xFFFFFC00, v20;
	v14 =	vand.u32 $0xFFFFFC00, v21;
	v17 =	vld.idx.msk [tilespmem:v17+s16+$0x0], $0xffff  }
0x230: {  	s23 =	sor.u32 $0x200, s15;
	s1 =	sor.u32 $0x200, s11;
	v10 =	vor.u32 v10, v13;
	v13 =	vand.u32 $0x7F, v22;
	v21 =	vor.u32 $0x280, v0;
	v20 =	vld.idx.msk [tilespmem:v1+s16+$0x0], $0xffff;
	[tilespmem:s7+$0x180] =	vst v12;
	s7 =	sor.u32 $0x200, s22  }
0x231: {  	s24 =	sor.u32 $0x200, s12;
	s21 =	sor.u32 $0x280, s15;
	s4 =	sor.u32 $0x280, s22;
	v22 =	vor.u32 $0x80, v10;
	v24 =	vor.u32 $0x100, v10;
	v14 =	vor.u32 v13, v14;
	v25 =	vld.idx.msk [tilespmem:v9+s16+$0x0], $0xffff;
	[tilespmem:s1+$0xC800] =	vst v15  }
0x232: {  	s29 =	sor.u32 $0x300, s22;
	v13 =	vor.u32 $0x180, v10;
	v15 =	vor.u32 $0x80, v14;
	v26 =	vor.u32 $0x100, v14;
	s1 =	sor.u32 $0x300, s15;
	[tilespmem:s24+$0xC800] =	vst v18;
	s24 =	sor.u32 $0x280, s12;
	v18 =	vld.idx.msk [tilespmem:v11+s16+$0x0], $0xffff  }
0x233: {  	s28 =	sor.u32 $0x300, s12;
	s22 =	sor.u32 $0x380, s22;
	v12 =	vor.u32 $0x180, v14;
	v9 =	vor.u32 $0x200, v14;
	s15 =	sor.u32 $0x380, s15;
	v11 =	vor.u32 $0x200, v10;
	v27 =	vld.idx.msk [tilespmem:v16+s16+$0x0], $0xffff;
	[tilespmem:s23+$0xC800] =	vst v19  }
0x234: {  	v29 =	vor.u32 $0x300, v2;
	s12 =	sor.u32 $0x380, s12;
	v19 =	vor.u32 $0x280, v14;
	v28 =	vld.idx.msk [tilespmem:v8+s16+$0x0], $0xffff;
	v8 =	vor.u32 $0x280, v10;
	[tilespmem:s8+$0xC800] =	vst v23;
	s8 =	smov.u32 s22  }
0x235: {  	s2 =	sadd.s32 $0x200, s2;
	v32 =	vor.u32 $0x80, v16;
	v30 =	vor.u32 $0x300, v10;
	v31 =	vor.u32 $0x300, v14;
	v23 =	vld.idx.msk [tilespmem:v10+s16+$0x0], $0xffff;
	[tilespmem:s3+$0xC800] =	vst v17;
	s3 =	smov.u32 s12  }
0x236: {  	v33 =	vor.u32 $0x380, v10;
	s12 =	sand.u32 $0x3C00, s2;
	v17 =	vor.u32 $0x80, v1;
	v10 =	vor.u32 $0x380, v14;
	v34 =	vld.idx.msk [tilespmem:v14+s16+$0x0], $0xffff  }
0x237: {  	s23 =	sadd.s32 $0xC800, s12;
	v35 =	vld.idx.msk [tilespmem:v21+s16+$0x0], $0xffff;
	[tilespmem:s7+$0xC800] =	vst v25;
	s7 =	sor.u32 $0x280, s11  }
0x238: {  	s26 =	sor.u32 s20, s23;
	s12 =	sor.u32 s10, s23;
	s22 =	sor.u32 s6, s23;
	v14 =	vld.idx.msk [tilespmem:v7+s16+$0x0], $0xffff;
	[tilespmem:s7+$0xC800] =	vst v18;
	v7 =	vmov v19  }
0x239: {  	s7 =	sor.u32 s9, s23;
	[tilespmem:s22+$0x0] =	vst v27;
	v18 =	vld.idx.msk [tilespmem:v29+s16+$0x0], $0xffff  }
0x23a: {  	[tilespmem:s26+$0x0] =	vst v20;
	v19 =	vld.idx.msk [tilespmem:v32+s16+$0x0], $0xffff  }
0x23b: {  	v20 =	vor.u32 $0x380, v2;
	v2 =	vmov v16;
	v17 =	vld.idx.msk [tilespmem:v17+s16+$0x0], $0xffff;
	[tilespmem:s12+$0x0] =	vst v23  }
0x23c: {  	v21 =	vor.u32 $0x100, v2;
	v16 =	vld.idx.msk [tilespmem:v22+s16+$0x0], $0xffff;
	[tilespmem:s7+$0x0] =	vst v34  }
0x23d: {  	v22 =	vor.u32 $0x100, v1;
	v15 =	vld.idx.msk [tilespmem:v15+s16+$0x0], $0xffff;
	[tilespmem:s21+$0xC800] =	vst v28  }
0x23e: {  	v23 =	vld.idx.msk [tilespmem:v6+s16+$0x0], $0xffff;
	[tilespmem:s4+$0xC800] =	vst v14;
	s4 =	sor.u32 $0x300, s11;
	v6 =	vmov v30  }
0x23f: {  	v14 =	vld.idx.msk [tilespmem:v5+s16+$0x0], $0xffff;
	[tilespmem:s4+$0xC800] =	vst v18;
	v5 =	vmov v31  }
0x240: {  	v25 =	vor.u32 $0x300, v0;
	[tilespmem:s22+$0x80] =	vst v19;
	v27 =	vld.idx.msk [tilespmem:v20+s16+$0x0], $0xffff  }
0x241: {  	[tilespmem:s26+$0x80] =	vst v17;
	v19 =	vld.idx.msk [tilespmem:v21+s16+$0x0], $0xffff  }
.Ltmp7:
0x242: {  	v17 =	vld.idx.msk [tilespmem:v22+s16+$0x0], $0xffff;
	[tilespmem:s12+$0x80] =	vst v16;
	(pc) =	sbr.rel @p1 .LBB2_14-.Ltmp7, $4  }
0x243: {  	v22 =	vor.u32 $0x180, v2;
	v18 =	vld.idx.msk [tilespmem:v24+s16+$0x0], $0xffff;
	[tilespmem:s7+$0x80] =	vst v15  }
0x244: {  	v21 =	vor.u32 $0x180, v1;
	v20 =	vld.idx.msk [tilespmem:v26+s16+$0x0], $0xffff;
	[tilespmem:s24+$0xC800] =	vst v35  }
0x245: {  	v15 =	vld.idx.msk [tilespmem:v25+s16+$0x0], $0xffff;
	[tilespmem:s1+$0xC800] =	vst v23;
	s1 =	sor.u32 $0x380, s11  }
0x246: {  	s14 =	sadd.s32 $0x40, s14;
	v16 =	vld.idx.msk [tilespmem:v4+s16+$0x0], $0xffff;
	[tilespmem:s1+$0xC800] =	vst v27;
	v4 =	vmov v33  }
0x247: {  	_ =	sdelay $0x2  }
0x248: {  	[tilespmem:s22+$0x100] =	vst v19  }
0x249: {  	[tilespmem:s26+$0x100] =	vst v17;
	v19 =	vld.idx.msk [tilespmem:v22+s16+$0x0], $0xffff  }
0x24a: {  	v53 =	vor.u32 $0x200, v2;
	[tilespmem:s12+$0x100] =	vst v18;
	v17 =	vld.idx.msk [tilespmem:v21+s16+$0x0], $0xffff  }
0x24b: {  	v54 =	vor.u32 $0x200, v1;
	v13 =	vld.idx.msk [tilespmem:v13+s16+$0x0], $0xffff;
	[tilespmem:s7+$0x100] =	vst v20  }
0x24c: {  	v12 =	vld.idx.msk [tilespmem:v12+s16+$0x0], $0xffff;
	_ =	sdelay $0x1  }
0x24d: {  	p0 =	por !p0, !p0;
	s0 =	simm.s32 $0x1;
	[tilespmem:s22+$0x180] =	vst v19  }
0x24e: {  	s0 =	simm.s32 @!p0 $0x0;
	[tilespmem:s26+$0x180] =	vst v17;
	v18 =	vld.idx.msk [tilespmem:v53+s16+$0x0], $0xffff  }
0x24f: {  	v55 =	vor.u32 $0x280, v2;
	s0 =	sshll.u32 s0, $0x6;
	[tilespmem:s12+$0x180] =	vst v13;
	v56 =	vld.idx.msk [tilespmem:v54+s16+$0x0], $0xffff  }
0x250: {  	v57 =	vor.u32 $0x280, v1;
	s0 =	sadd.s32 s0, s2;
	v11 =	vld.idx.msk [tilespmem:v11+s16+$0x0], $0xffff;
	[tilespmem:s7+$0x180] =	vst v12  }
0x251: {  	s1 =	sadd.s32 $0x30, s0;
	v9 =	vld.idx.msk [tilespmem:v9+s16+$0x0], $0xffff  }
0x252: {  	s4 =	sor.u32 $0x200, s1  }
0x253: {  	s2 =	sadd.s32 $0x10, s0;
	s10 =	sor.u32 $0x200, s0;
	[tilespmem:s4+$0xC800] =	vst v18  }
0x254: {  	s6 =	sadd.s32 $0x20, s0;
	s31 =	sor.u32 $0x200, s2;
	[tilespmem:s10+$0xC800] =	vst v56;
	v13 =	vld.idx.msk [tilespmem:v55+s16+$0x0], $0xffff  }
0x255: {  	v58 =	vor.u32 $0x300, v2;
	s9 =	sor.u32 $0x200, s6;
	[tilespmem:s31+$0xC800] =	vst v11;
	v59 =	vld.idx.msk [tilespmem:v57+s16+$0x0], $0xffff  }
0x256: {  	v60 =	vor.u32 $0x300, v1;
	v8 =	vld.idx.msk [tilespmem:v8+s16+$0x0], $0xffff;
	[tilespmem:s9+$0xC800] =	vst v9  }
0x257: {  	v7 =	vld.idx.msk [tilespmem:v7+s16+$0x0], $0xffff  }
0x258: {  	[tilespmem:s29+$0xC800] =	vst v14;
	s11 =	sor.u32 $0x280, s1  }
0x259: {  	s14 =	sor.u32 $0x280, s0;
	[tilespmem:s11+$0xC800] =	vst v13  }
0x25a: {  	v0 =	vor.u32 $0x380, v0;
	s12 =	sor.u32 $0x280, s2;
	[tilespmem:s14+$0xC800] =	vst v59;
	v11 =	vld.idx.msk [tilespmem:v58+s16+$0x0], $0xffff  }
0x25b: {  	v61 =	vor.u32 $0x380, v2;
	s13 =	sor.u32 $0x280, s6;
	[tilespmem:s12+$0xC800] =	vst v8;
	v62 =	vld.idx.msk [tilespmem:v60+s16+$0x0], $0xffff  }
0x25c: {  	v63 =	vor.u32 $0x380, v1;
	v6 =	vld.idx.msk [tilespmem:v6+s16+$0x0], $0xffff;
	[tilespmem:s13+$0xC800] =	vst v7  }
0x25d: {  	[tilespmem:s28+$0xC800] =	vst v15;
	v5 =	vld.idx.msk [tilespmem:v5+s16+$0x0], $0xffff  }
0x25e: {  	v3 =	vld.idx.msk [tilespmem:v3+s16+$0x0], $0xffff;
	[tilespmem:s15+$0xC800] =	vst v16;
	s20 =	sor.u32 $0x300, s1  }
0x25f: {  	s23 =	sor.u32 $0x300, s0;
	v0 =	vld.idx.msk [tilespmem:v0+s16+$0x0], $0xffff;
	[tilespmem:s20+$0xC800] =	vst v11  }
0x260: {  	s21 =	sor.u32 $0x300, s2;
	[tilespmem:s23+$0xC800] =	vst v62;
	v2 =	vld.idx.msk [tilespmem:v61+s16+$0x0], $0xffff  }
0x261: {  	s22 =	sor.u32 $0x300, s6;
	[tilespmem:s21+$0xC800] =	vst v6;
	v1 =	vld.idx.msk [tilespmem:v63+s16+$0x0], $0xffff  }
0x262: {  	v4 =	vld.idx.msk [tilespmem:v4+s16+$0x0], $0xffff;
	[tilespmem:s22+$0xC800] =	vst v5  }
0x263: {  	[tilespmem:s8+$0xC800] =	vst v3;
	v5 =	vld.idx.msk [tilespmem:v10+s16+$0x0], $0xffff  }
0x264: {  	s1 =	sor.u32 $0x380, s1;
	[tilespmem:s3+$0xC800] =	vst v0  }
0x265: {  	s0 =	sor.u32 $0x380, s0;
	[tilespmem:s1+$0xC800] =	vst v2  }
0x266: {  	s2 =	sor.u32 $0x380, s2;
	[tilespmem:s0+$0xC800] =	vst v1  }
0x267: {  	s24 =	sor.u32 $0x380, s6;
	[tilespmem:s2+$0xC800] =	vst v4  }
0x268: {  	[tilespmem:s24+$0xC800] =	vst v5  }
0x269: {  	s26 =	simm.s32 $0xC800;
	s0 =	rddreg [dreg:$0xb]  }
0x26a: {  	[hbm4b:s0+s5] =	stream.linear.scatter [tilespmem:s26], [sflag:$0x4], $0x4000, $0x38;
	[tilespmem:$0x18800] =	vst v63  }
0x26b: {  	_ =	swait.ge [sflag:s25], $0x4000  }
0x26c: {  	[sflag:s25] =	ssyncset.done $0x0  }
0x26d: {  	s28 =	simm.s32 $0x5;
	[sflag:s25] =	ssyncadd.s32 $0xFFFFC000  }
0x26e: {  	_ =	swait.ge [sflag:s28], $0x4000  }
0x26f: {  	[sflag:s28] =	ssyncset.done $0x0  }
0x270: {  	s29 =	simm.s32 $0x6;
	[sflag:s28] =	ssyncadd.s32 $0xFFFFC000  }
0x271: {  	_ =	swait.ge [sflag:s29], $0x4000  }
0x272: {  	s30 =	rddreg [dreg:$0xd]  }
0x273: {  	s31 =	rddreg [dreg:$0xc];
	s2 =	sadd.s32 $0x1, s30  }
0x274: {  	p0 =	sne.s32 s2, s31  }
.Ltmp8:
0x275: {  	_ = 	snop;
	(pc) =	sbr.rel @p0 .LBB2_1-.Ltmp8, $3  }
0x276: {  	_ =	sdelay $0x1  }
0x277: {  	[sflag:s29] =	ssyncset.done $0x0  }
0x278: {  	[sflag:s29] =	ssyncadd.s32 $0xFFFFC000  }
0x279: {  	_ =	sfence.sel $0x180000  }
0x27a: {  	[bflag:$0x0] =	sbarrier.arrive $0xFFFF  }
0x27b: {  	_ =	strace $0x90000047  }
0x27c: {  	s0 =	stileid.u32;
	[bflag:$0x2] =	sbarrier.arrive $0xFFFF  }
0x27d: {  	p0 =	sne.s32 s0, $0x0;
	s0 =	rddreg [dreg:$0x3]  }
0x27e: {  	s0 =	sadd.s32 @!p0 $0x100000, s0  }
0x27f: {  	[sflag:s0] =	ssyncadd.tile.s32 @!p0 $0x1;
	_ =	shalt  }
.Lfunc_end2:
_tile_overlayer_lowered:
.L_overlay_start_2:
0x280: {  	(tag) =	ssettag $0x2  }
0x281: {  	s0 =	rddreg [dreg:$0x0];
	s2 =	stileid.u32  }
0x282: {  	s1 =	rddreg [dreg:$0x1];
	p0 =	sne.s32 s2, $0x0  }
0x283: {  	s3 =	rddreg [dreg:$0x2];
	[bflag:$0x3] =	sbarrier.arrive $0xFFFF;
	s2 =	simm.s32 @!p0 $0x1C07  }
0x284: {  	[timem:s3], [sflag:s2] =	dma.local @!p0 [hbm:s0], s1  }
0x285: {  	s0 =	simm.s32 @!p0 $0x7  }
0x286: {  	_ =	swait.ge @!p0 [sflag:s0], s1  }
0x287: {  	s1 =	ssub.s32 @!p0 $0x0, s1;
	[sflag:s0] =	ssyncset.done @!p0 $0x0  }
0x288: {  	[sflag:s0] =	ssyncadd.s32 @!p0 s1  }
0x289: {  	[bflag:$0x3] =	sbarrier.arrive $0xFFFF  }
0x28a: {  	_ =	shalt  }

</sc_bundles>
